<compile_context>
chip_gen: v7x
topology: tpu7x:2x2x1
jax: 0.10.2.dev20260603
libtpu: 0.0.44.dev20260713+nightly
codegen_flags: <defaults>
</compile_context>

<pallas_src>
import functools

import jax
import jax.numpy as jnp
from jax import lax
from jax.experimental import pallas as pl
from jax.experimental.pallas import tpu as pltpu
from jax.experimental.pallas import tpu_sc as plsc

HEADS = 8
DIM = 192
DH = 64
NB = 2
N = 4096
BH = NB * HEADS
NSEL = 512
F32 = jnp.float32


def _prep_kernel(x_ref, g_ref, b_ref, w_ref,
                 qn_ref, kv_ref, sc_ref, xn_scr):
    h = pl.program_id(1)

    @pl.when(h == 0)
    def _():
        xb = x_ref[0]
        mu = jnp.mean(xb, axis=1, keepdims=True)
        xc = xb - mu
        var = jnp.mean(xc * xc, axis=1, keepdims=True)
        xn_scr[...] = g_ref[...] * xc / (jnp.sqrt(var) + 1e-6) + b_ref[...]

    xn = xn_scr[...]
    nt = (((1,), (1,)), ((), ()))
    qkv = lax.dot_general(xn, w_ref[0], nt, preferred_element_type=F32)
    q = qkv[:, :DH]
    k = qkv[:, DH:2 * DH]
    v = qkv[:, 2 * DH:]
    qn = q / (jnp.sqrt(jnp.sum(q * q, axis=1, keepdims=True)) + 1e-6)
    kn = k / (jnp.sqrt(jnp.sum(k * k, axis=1, keepdims=True)) + 1e-6)

    qn_ref[0, 0] = qn
    kv_ref[0, 0] = jnp.concatenate([kn, v], axis=1)

    q_probe = jnp.sum(jnp.abs(qn), axis=0, keepdims=True)
    ka = jnp.abs(kn)
    kd = jnp.sum(ka.reshape(16, 256, DH), axis=1)
    k4 = ka.reshape(16, 16, 16, DH)
    kh = jnp.sum(jnp.sum(k4, axis=0), axis=1)
    kw = jnp.sum(ka.reshape(256, 16, DH), axis=0)
    bf = jnp.bfloat16
    qpb = q_probe.astype(bf).astype(F32)
    s_d = jnp.sum(kd.astype(bf).astype(F32) * qpb, axis=1, keepdims=True)
    s_h = jnp.sum(kh.astype(bf).astype(F32) * qpb, axis=1, keepdims=True)
    s_w = jnp.sum(kw.astype(bf).astype(F32) * qpb, axis=1, keepdims=True)

    ii_col = lax.broadcasted_iota(jnp.int32, (16, 1), 0).astype(F32)
    parts = []
    for a, s_col in enumerate((s_d, s_h, s_w)):
        vv = s_col
        vals = []
        for _ in range(8):
            mval = jnp.max(vv, axis=0, keepdims=True)
            mi = jnp.where(vv == mval, ii_col, 3e38)
            mn = jnp.min(mi, axis=0, keepdims=True)
            vals.append(mn)
            vv = jnp.where(mi == mn, -3e38, vv)
        if a == 0:
            parts.append(jnp.concatenate(vals, axis=0))
        else:
            parts.append(jnp.concatenate(vals, axis=1))
    td_col, th_row, tw_row = parts

    e8 = lax.broadcasted_iota(jnp.int32, (8, 64), 0)
    c64 = lax.broadcasted_iota(jnp.int32, (8, 64), 1)
    expand_h = (c64 // 8 == e8).astype(F32)
    expand_w = (c64 % 8 == e8).astype(F32)
    th_e = lax.dot_general(th_row, expand_h, (((1,), (0,)), ((), ())),
                           preferred_element_type=F32)
    tw_e = lax.dot_general(tw_row, expand_w, (((1,), (0,)), ((), ())),
                           preferred_element_type=F32)
    bh = pl.program_id(0) * HEADS + pl.program_id(1)
    base = (bh * N).astype(F32)
    m = td_col * 256.0 + th_e * 16.0 + tw_e + base
    sc_ref[0, 0] = m.astype(jnp.int32)


@functools.cache
def _sc_gather_fn():
    mesh = plsc.VectorSubcoreMesh(
        core_axis_name="c", subcore_axis_name="s", num_cores=2,
        num_subcores=16)
    return functools.partial(
        pl.kernel,
        out_type=jax.ShapeDtypeStruct((BH * NSEL, 2 * DH), F32),
        mesh=mesh,
        scratch_types=[
            pltpu.VMEM((128,), jnp.int32),
            pltpu.VMEM((128,), jnp.int32),
            pltpu.VMEM((256, 2 * DH), F32),
            pltpu.SemaphoreType.DMA,
        ],
    )(_sc_gather)


def _sc_gather(idx_hbm, kv_hbm, out_hbm, idx_a, idx_b, rows_v, sem):
    cid = lax.axis_index("c")
    sid = lax.axis_index("s")
    wid = sid * 2 + cid
    bh = wid // 2
    half = wid % 2
    off = bh * NSEL + half * 256

    pltpu.sync_copy(idx_hbm.at[pl.ds(off, 128)], idx_a)
    pltpu.sync_copy(idx_hbm.at[pl.ds(off + 128, 128)], idx_b)
    cp0 = pltpu.async_copy(kv_hbm.at[idx_a], rows_v.at[pl.ds(0, 128)], sem)
    cp1 = pltpu.async_copy(kv_hbm.at[idx_b], rows_v.at[pl.ds(128, 128)], sem)
    cp0.wait()
    cp1.wait()
    pltpu.sync_copy(rows_v, out_hbm.at[pl.ds(off, 256)])


def _attn_kernel(qn_ref, kv_ref, wo_ref, bo_ref, out_ref):
    h = pl.program_id(1)
    q = qn_ref[0, 0]
    k = kv_ref[0, :, :DH]
    v = kv_ref[0, :, DH:]
    sim = lax.dot_general(q, k, (((1,), (1,)), ((), ())),
                          preferred_element_type=F32)
    p = jnp.exp(sim)
    s = jnp.sum(p, axis=1, keepdims=True)
    o = lax.dot_general(p, v, (((1,), (0,)), ((), ())),
                        preferred_element_type=F32)
    o = o / s
    part = lax.dot_general(wo_ref[0], o, (((1,), (1,)), ((), ())),
                           preferred_element_type=F32)

    @pl.when(h == 0)
    def _():
        out_ref[0] = part + bo_ref[...]

    @pl.when(h != 0)
    def _():
        out_ref[0] += part


@jax.jit
def kernel(x, gamma, beta, W_qkv, W_out, b_out):
    b, c, D, H, W = x.shape
    xt = x.reshape(NB, DIM, N).transpose(0, 2, 1)
    g2 = gamma.reshape(1, DIM)
    b2 = beta.reshape(1, DIM)
    w3 = W_qkv.reshape(3, HEADS, DH, DIM)
    wcat = w3.transpose(1, 0, 2, 3).reshape(HEADS, 3 * DH, DIM)
    wo = W_out.reshape(DH, HEADS, DH).transpose(1, 0, 2)
    bo = b_out.reshape(DH, 1)

    qn, kv, idx = pl.pallas_call(
        _prep_kernel,
        grid=(NB, HEADS),
        in_specs=[
            pl.BlockSpec((1, N, DIM), lambda b_, h_: (b_, 0, 0)),
            pl.BlockSpec((1, DIM), lambda b_, h_: (0, 0)),
            pl.BlockSpec((1, DIM), lambda b_, h_: (0, 0)),
            pl.BlockSpec((1, 3 * DH, DIM), lambda b_, h_: (h_, 0, 0)),
        ],
        out_specs=[
            pl.BlockSpec((1, 1, N, DH), lambda b_, h_: (b_, h_, 0, 0)),
            pl.BlockSpec((1, 1, N, 2 * DH), lambda b_, h_: (b_, h_, 0, 0)),
            pl.BlockSpec((1, 1, 8, 64), lambda b_, h_: (b_, h_, 0, 0)),
        ],
        out_shape=[
            jax.ShapeDtypeStruct((NB, HEADS, N, DH), F32),
            jax.ShapeDtypeStruct((NB, HEADS, N, 2 * DH), F32),
            jax.ShapeDtypeStruct((NB, HEADS, 8, 64), jnp.int32),
        ],
        scratch_shapes=[pltpu.VMEM((N, DIM), F32)],
    )(xt, g2, b2, wcat)

    kv_flat = kv.reshape(BH * N, 2 * DH)
    idx_flat = idx.reshape(BH * NSEL)
    kvsel = _sc_gather_fn()(idx_flat, kv_flat)
    kvsel = kvsel.reshape(BH, NSEL, 2 * DH)

    out = pl.pallas_call(
        _attn_kernel,
        grid=(NB, HEADS),
        in_specs=[
            pl.BlockSpec((1, 1, N, DH), lambda b_, h_: (b_, h_, 0, 0)),
            pl.BlockSpec((1, NSEL, 2 * DH), lambda b_, h_: (b_ * HEADS + h_, 0, 0)),
            pl.BlockSpec((1, DH, DH), lambda b_, h_: (h_, 0, 0)),
            pl.BlockSpec((DH, 1), lambda b_, h_: (0, 0)),
        ],
        out_specs=pl.BlockSpec((1, DH, N), lambda b_, h_: (b_, 0, 0)),
        out_shape=jax.ShapeDtypeStruct((NB, DH, N), F32),
    )(qn, kvsel, wo, bo)

    return out.reshape(NB, DH, D, H, W)

# --- scband reference (transcript-rebuilt; emitter-appended) ---
"""Pipeline reference for scband-dpsa3-d-30021821399893 (READ-ONLY COPY).

The authoritative reference and input builder live on the scoring server;
editing this copy changes nothing except your own understanding.
"""

import jax, jax.numpy as jnp
import numpy as np

HEADS = 8
DIM = 192
OUT_DIM = 64
INNER = OUT_DIM * HEADS
DK, HK, WK = 8, 8, 8


def setup_inputs(seed: int = 0) -> dict:
    key = jax.random.key(seed)
    k1, k2, k3, k4 = jax.random.split(key, 4)
    x = jax.random.normal(k1, (2, DIM, 16, 16, 16), dtype=jnp.float32)
    gamma = jnp.ones((1, DIM, 1, 1, 1), dtype=jnp.float32)
    beta = jnp.zeros((1, DIM, 1, 1, 1), dtype=jnp.float32)
    W_qkv = jax.random.normal(k2, (INNER * 3, DIM), dtype=jnp.float32) * 0.02
    W_out = jax.random.normal(k3, (OUT_DIM, INNER), dtype=jnp.float32) * 0.02
    b_out = jnp.zeros((OUT_DIM,), dtype=jnp.float32)
    return {"x": x, "gamma": gamma, "beta": beta, "W_qkv": W_qkv, "W_out": W_out, "b_out": b_out}


def _l2norm(t):
    return t / (jnp.linalg.norm(t, axis=1, keepdims=True) + 1e-06)


def reference(x, gamma, beta, W_qkv, W_out, b_out):
    b, c, D, H, W = x.shape
    heads = HEADS
    dim_head = OUT_DIM
    depth_top_k, height_top_k, width_top_k = DK, HK, WK
    # ChanLayerNorm
    mean = jnp.mean(x, axis=1, keepdims=True)
    var = jnp.var(x, axis=1, keepdims=True)
    xn = gamma * (x - mean) / (jnp.sqrt(var) + 1e-06) + beta
    # 1x1x1 conv -> qkv
    qkv = jnp.einsum('bcdhw,oc->bodhw', xn, W_qkv)
    q, k, v = jnp.split(qkv, 3, axis=1)

    def fold(t):
        return t.reshape(b, heads, dim_head, D, H, W).reshape(b * heads, dim_head, D, H, W)

    q, k, v = fold(q), fold(k), fold(v)
    q, k = _l2norm(q), _l2norm(k)

    q_abs = jnp.abs(q)
    k_abs = jnp.abs(k)
    q_probe = q_abs.sum(axis=(2, 3, 4))  # [B, C]

    if depth_top_k < D:
        k_depth = k_abs.sum(axis=(3, 4))  # [B, C, D]
        score_d = jnp.einsum('bc,bcd->bd', q_probe, k_depth)
        _, top_d = jax.lax.top_k(score_d, depth_top_k)
        idx = top_d[:, None, :, None, None]
        k = jnp.take_along_axis(k, idx, axis=2)
        v = jnp.take_along_axis(v, idx, axis=2)
    if height_top_k < H:
        k_height = k_abs.sum(axis=(2, 4))  # [B, C, H]
        score_h = jnp.einsum('bc,bch->bh', q_probe, k_height)
        _, top_h = jax.lax.top_k(score_h, height_top_k)
        idx = top_h[:, None, None, :, None]
        k = jnp.take_along_axis(k, idx, axis=3)
        v = jnp.take_along_axis(v, idx, axis=3)
    if width_top_k < W:
        k_width = k_abs.sum(axis=(2, 3))  # [B, C, W]
        score_w = jnp.einsum('bc,bcw->bw', q_probe, k_width)
        _, top_w = jax.lax.top_k(score_w, width_top_k)
        idx = top_w[:, None, None, None, :]
        k = jnp.take_along_axis(k, idx, axis=4)
        v = jnp.take_along_axis(v, idx, axis=4)

    B = b * heads
    q = q.reshape(B, dim_head, -1).transpose(0, 2, 1)
    k = k.reshape(B, dim_head, -1).transpose(0, 2, 1)
    v = v.reshape(B, dim_head, -1).transpose(0, 2, 1)

    sim = jnp.einsum('bid,bjd->bij', q, k)
    attn = jax.nn.softmax(sim, axis=-1)
    out = jnp.einsum('bij,bjd->bid', attn, v)
    out = out.reshape(b, heads, D, H, W, dim_head)
    out = jnp.transpose(out, (0, 1, 5, 2, 3, 4)).reshape(b, heads * dim_head, D, H, W)
    out = jnp.einsum('bcdhw,oc->bodhw', out, W_out) + b_out[None, :, None, None, None]
    return out

if __name__ == "__main__":
    import jax
    _d = setup_inputs()
    print(jax.jit(kernel)(*tuple(_d.values())))

</pallas_src>

<mosaic_0001>
#map = affine_map<(d0, d1) -> (0)>
#map1 = affine_map<(d0, d1) -> (0, 0)>
module attributes {stable_mosaic.version = 14 : i64} {
  func.func @_sc_gather(%arg0: i32, %arg1: i32, %arg2: memref<8192xi32, #tpu.memory_space<hbm>>, %arg3: memref<65536x128xf32, #tpu.memory_space<hbm>>, %arg4: memref<8192x128xf32, #tpu.memory_space<hbm>>, %arg5: memref<128xi32, #tpu.memory_space<vmem>>, %arg6: memref<128xi32, #tpu.memory_space<vmem>>, %arg7: memref<256x128xf32, #tpu.memory_space<vmem>>, %arg8: memref<!tpu.dma_semaphore, #tpu.memory_space<semaphore_mem>>) attributes {dimension_semantics = [#tpu.dimension_semantics<core_parallel>, #tpu.dimension_semantics<subcore_parallel>], iteration_bounds = array<i64: 2, 16>, scalar_prefetch = 0 : i64, scratch_operands = 4 : i64, tpu.core_type = #tpu.core_type<sc_vector_subcore>, window_params = [{transform_indices = #map}, {transform_indices = #map1}, {transform_indices = #map1}]} {
    %mul3A = arith.constant 2 : i32
    %mul3A_0 = arith.muli %arg1, %mul3A : i32
    %add3A = arith.addi %mul3A_0, %arg0 : i32
    %jit3A = arith.constant 2 : i32
    %div3A = arith.divsi %add3A, %jit3A : i32
    %sign3A = arith.constant 0 : i32
    %sign3A_1 = arith.cmpi sgt, %add3A, %sign3A : i32
    %sign3A_2 = arith.extui %sign3A_1 : i1 to i32
    %sign3A_3 = arith.constant 0 : i32
    %sign3A_4 = arith.cmpi slt, %add3A, %sign3A_3 : i32
    %sign3A_5 = arith.extui %sign3A_4 : i1 to i32
    %sign3A_6 = arith.subi %sign3A_2, %sign3A_5 : i32
    %sign3A_7 = arith.constant 0 : i32
    %sign3A_8 = arith.cmpi sgt, %jit3A, %sign3A_7 : i32
    %sign3A_9 = arith.extui %sign3A_8 : i1 to i32
    %sign3A_10 = arith.constant 0 : i32
    %sign3A_11 = arith.cmpi slt, %jit3A, %sign3A_10 : i32
    %sign3A_12 = arith.extui %sign3A_11 : i1 to i32
    %sign3A_13 = arith.subi %sign3A_9, %sign3A_12 : i32
    %ne3A = arith.cmpi ne, %sign3A_6, %sign3A_13 : i32
    %rem3A = arith.remsi %add3A, %jit3A : i32
    %ne3A_14 = arith.constant 0 : i32
    %ne3A_15 = arith.cmpi ne, %rem3A, %ne3A_14 : i32
    %and3A = arith.andi %ne3A, %ne3A_15 : i1
    %sub3A = arith.constant 1 : i32
    %sub3A_16 = arith.subi %div3A, %sub3A : i32
    %select_n3A = arith.select %and3A, %sub3A_16, %div3A : i32
    %jit3A_17 = arith.constant 2 : i32
    %eq3A = arith.constant 0 : i32
    %eq3A_18 = arith.cmpi eq, %jit3A_17, %eq3A : i32
    %jit3A_19 = arith.constant 1 : i32
    %select_n3A_20 = arith.select %eq3A_18, %jit3A_19, %jit3A_17 : i32
    %rem3A_21 = arith.remsi %add3A, %select_n3A_20 : i32
    %ne3A_22 = arith.constant 0 : i32
    %ne3A_23 = arith.cmpi ne, %rem3A_21, %ne3A_22 : i32
    %lt3A = arith.constant 0 : i32
    %lt3A_24 = arith.cmpi slt, %rem3A_21, %lt3A : i32
    %lt3A_25 = arith.constant 0 : i32
    %lt3A_26 = arith.cmpi slt, %select_n3A_20, %lt3A_25 : i32
    %ne3A_27 = arith.xori %lt3A_24, %lt3A_26 : i1
    %and3A_28 = arith.andi %ne3A_27, %ne3A_23 : i1
    %add3A_29 = arith.addi %rem3A_21, %select_n3A_20 : i32
    %select_n3A_30 = arith.select %and3A_28, %add3A_29, %rem3A_21 : i32
    %mul3A_31 = arith.constant 512 : i32
    %mul3A_32 = arith.muli %select_n3A, %mul3A_31 : i32
    %mul3A_33 = arith.constant 256 : i32
    %mul3A_34 = arith.muli %select_n3A_30, %mul3A_33 : i32
    %add3A_35 = arith.addi %mul3A_32, %mul3A_34 : i32
    "tpu.region"() ({
      %run_scoped3A = tpu.sem_alloc : memref<!tpu.dma_semaphore, #tpu.memory_space<semaphore_mem>>
      %dma_start3A_60 = tpu.memref_slice %arg2[%add3A_35] : memref<8192xi32, #tpu.memory_space<hbm>> -> memref<128xi32, #tpu.memory_space<hbm>>
      %dma_start3A_61 = tpu.memref_slice %arg2[%add3A_35] : memref<8192xi32, #tpu.memory_space<hbm>> -> memref<128xi32, #tpu.memory_space<hbm>>
      tpu.enqueue_dma source(%dma_start3A_61 : memref<128xi32, #tpu.memory_space<hbm>>) target(%arg5 : memref<128xi32, #tpu.memory_space<vmem>>) target_semaphore(%run_scoped3A : memref<!tpu.dma_semaphore, #tpu.memory_space<semaphore_mem>>)
      %dma_wait3A_62 = tpu.memref_slice %arg2[%add3A_35] : memref<8192xi32, #tpu.memory_space<hbm>> -> memref<128xi32, #tpu.memory_space<hbm>>
      %dma_wait3A_63 = tpu.memref_slice %arg2[%add3A_35] : memref<8192xi32, #tpu.memory_space<hbm>> -> memref<128xi32, #tpu.memory_space<hbm>>
      tpu.wait_dma2 semaphore(%run_scoped3A : memref<!tpu.dma_semaphore, #tpu.memory_space<semaphore_mem>>) src(%dma_wait3A_63 : memref<128xi32, #tpu.memory_space<hbm>>) dst(%arg5 : memref<128xi32, #tpu.memory_space<vmem>>)
      tpu.yield
    }) : () -> ()
    %add3A_36 = arith.constant 128 : i32
    %add3A_37 = arith.addi %add3A_35, %add3A_36 : i32
    "tpu.region"() ({
      %run_scoped3A = tpu.sem_alloc : memref<!tpu.dma_semaphore, #tpu.memory_space<semaphore_mem>>
      %dma_start3A_60 = tpu.memref_slice %arg2[%add3A_37] : memref<8192xi32, #tpu.memory_space<hbm>> -> memref<128xi32, #tpu.memory_space<hbm>>
      %dma_start3A_61 = tpu.memref_slice %arg2[%add3A_37] : memref<8192xi32, #tpu.memory_space<hbm>> -> memref<128xi32, #tpu.memory_space<hbm>>
      tpu.enqueue_dma source(%dma_start3A_61 : memref<128xi32, #tpu.memory_space<hbm>>) target(%arg6 : memref<128xi32, #tpu.memory_space<vmem>>) target_semaphore(%run_scoped3A : memref<!tpu.dma_semaphore, #tpu.memory_space<semaphore_mem>>)
      %dma_wait3A_62 = tpu.memref_slice %arg2[%add3A_37] : memref<8192xi32, #tpu.memory_space<hbm>> -> memref<128xi32, #tpu.memory_space<hbm>>
      %dma_wait3A_63 = tpu.memref_slice %arg2[%add3A_37] : memref<8192xi32, #tpu.memory_space<hbm>> -> memref<128xi32, #tpu.memory_space<hbm>>
      tpu.wait_dma2 semaphore(%run_scoped3A : memref<!tpu.dma_semaphore, #tpu.memory_space<semaphore_mem>>) src(%dma_wait3A_63 : memref<128xi32, #tpu.memory_space<hbm>>) dst(%arg6 : memref<128xi32, #tpu.memory_space<vmem>>)
      tpu.yield
    }) : () -> ()
    %dma_start3A = arith.constant 0 : i32
    %dma_start3A_38 = arith.constant 0 : i32
    %dma_start3A_39 = tpu.memref_slice %arg7[%dma_start3A, %dma_start3A_38] : memref<256x128xf32, #tpu.memory_space<vmem>> -> memref<128x128xf32, #tpu.memory_space<vmem>>
    %dma_start3A_40 = arith.constant 0 : i32
    %dma_start3A_41 = arith.constant 0 : i32
    %dma_start3A_42 = tpu.memref_slice %arg3[%dma_start3A_40, %dma_start3A_41] : memref<65536x128xf32, #tpu.memory_space<hbm>> -> memref<65536x128xf32, #tpu.memory_space<hbm>>
    tpu.enqueue_indirect_dma source(%dma_start3A_42 : memref<65536x128xf32, #tpu.memory_space<hbm>>) target(%dma_start3A_39 : memref<128x128xf32, #tpu.memory_space<vmem>>) offsets(%arg5 : memref<128xi32, #tpu.memory_space<vmem>>) semaphore(%arg8 : memref<!tpu.dma_semaphore, #tpu.memory_space<semaphore_mem>>)
    %dma_start3A_43 = arith.constant 128 : i32
    %dma_start3A_44 = arith.constant 0 : i32
    %dma_start3A_45 = tpu.memref_slice %arg7[%dma_start3A_43, %dma_start3A_44] : memref<256x128xf32, #tpu.memory_space<vmem>> -> memref<128x128xf32, #tpu.memory_space<vmem>>
    %dma_start3A_46 = arith.constant 0 : i32
    %dma_start3A_47 = arith.constant 0 : i32
    %dma_start3A_48 = tpu.memref_slice %arg3[%dma_start3A_46, %dma_start3A_47] : memref<65536x128xf32, #tpu.memory_space<hbm>> -> memref<65536x128xf32, #tpu.memory_space<hbm>>
    tpu.enqueue_indirect_dma source(%dma_start3A_48 : memref<65536x128xf32, #tpu.memory_space<hbm>>) target(%dma_start3A_45 : memref<128x128xf32, #tpu.memory_space<vmem>>) offsets(%arg6 : memref<128xi32, #tpu.memory_space<vmem>>) semaphore(%arg8 : memref<!tpu.dma_semaphore, #tpu.memory_space<semaphore_mem>>)
    %dma_wait3A = arith.constant 0 : i32
    %dma_wait3A_49 = arith.constant 0 : i32
    %dma_wait3A_50 = tpu.memref_slice %arg7[%dma_wait3A, %dma_wait3A_49] : memref<256x128xf32, #tpu.memory_space<vmem>> -> memref<128x128xf32, #tpu.memory_space<vmem>>
    %dma_wait3A_51 = arith.constant 0 : i32
    %dma_wait3A_52 = arith.constant 0 : i32
    %dma_wait3A_53 = tpu.memref_slice %arg3[%dma_wait3A_51, %dma_wait3A_52] : memref<65536x128xf32, #tpu.memory_space<hbm>> -> memref<65536x128xf32, #tpu.memory_space<hbm>>
    tpu.wait_indirect_dma semaphore(%arg8 : memref<!tpu.dma_semaphore, #tpu.memory_space<semaphore_mem>>) src(%dma_wait3A_53 : memref<65536x128xf32, #tpu.memory_space<hbm>>) dst(%dma_wait3A_50 : memref<128x128xf32, #tpu.memory_space<vmem>>)
    %dma_wait3A_54 = arith.constant 128 : i32
    %dma_wait3A_55 = arith.constant 0 : i32
    %dma_wait3A_56 = tpu.memref_slice %arg7[%dma_wait3A_54, %dma_wait3A_55] : memref<256x128xf32, #tpu.memory_space<vmem>> -> memref<128x128xf32, #tpu.memory_space<vmem>>
    %dma_wait3A_57 = arith.constant 0 : i32
    %dma_wait3A_58 = arith.constant 0 : i32
    %dma_wait3A_59 = tpu.memref_slice %arg3[%dma_wait3A_57, %dma_wait3A_58] : memref<65536x128xf32, #tpu.memory_space<hbm>> -> memref<65536x128xf32, #tpu.memory_space<hbm>>
    tpu.wait_indirect_dma semaphore(%arg8 : memref<!tpu.dma_semaphore, #tpu.memory_space<semaphore_mem>>) src(%dma_wait3A_59 : memref<65536x128xf32, #tpu.memory_space<hbm>>) dst(%dma_wait3A_56 : memref<128x128xf32, #tpu.memory_space<vmem>>)
    "tpu.region"() ({
      %run_scoped3A = tpu.sem_alloc : memref<!tpu.dma_semaphore, #tpu.memory_space<semaphore_mem>>
      %dma_start3A_60 = arith.constant 0 : i32
      %dma_start3A_61 = tpu.memref_slice %arg4[%add3A_35, %dma_start3A_60] : memref<8192x128xf32, #tpu.memory_space<hbm>> -> memref<256x128xf32, #tpu.memory_space<hbm>>
      %dma_start3A_62 = arith.constant 0 : i32
      %dma_start3A_63 = tpu.memref_slice %arg4[%add3A_35, %dma_start3A_62] : memref<8192x128xf32, #tpu.memory_space<hbm>> -> memref<256x128xf32, #tpu.memory_space<hbm>>
      tpu.enqueue_dma source(%arg7 : memref<256x128xf32, #tpu.memory_space<vmem>>) target(%dma_start3A_63 : memref<256x128xf32, #tpu.memory_space<hbm>>) target_semaphore(%run_scoped3A : memref<!tpu.dma_semaphore, #tpu.memory_space<semaphore_mem>>)
      %dma_wait3A_64 = arith.constant 0 : i32
      %dma_wait3A_65 = tpu.memref_slice %arg4[%add3A_35, %dma_wait3A_64] : memref<8192x128xf32, #tpu.memory_space<hbm>> -> memref<256x128xf32, #tpu.memory_space<hbm>>
      %dma_wait3A_66 = arith.constant 0 : i32
      %dma_wait3A_67 = tpu.memref_slice %arg4[%add3A_35, %dma_wait3A_66] : memref<8192x128xf32, #tpu.memory_space<hbm>> -> memref<256x128xf32, #tpu.memory_space<hbm>>
      tpu.wait_dma2 semaphore(%run_scoped3A : memref<!tpu.dma_semaphore, #tpu.memory_space<semaphore_mem>>) src(%arg7 : memref<256x128xf32, #tpu.memory_space<vmem>>) dst(%dma_wait3A_67 : memref<256x128xf32, #tpu.memory_space<hbm>>)
      tpu.yield
    }) : () -> ()
    return
  }
}

module attributes {stable_mosaic.version = 14 : i64} {
  func.func @_prep_kernel(%arg0: i32, %arg1: i32, %arg2: memref<1x4096x192xf32, #tpu.memory_space<vmem>>, %arg3: memref<1x192xf32, #tpu.memory_space<vmem>>, %arg4: memref<1x192xf32, #tpu.memory_space<vmem>>, %arg5: memref<1x192x192xf32, #tpu.memory_space<vmem>>, %arg6: memref<1x1x4096x64xf32, #tpu.memory_space<vmem>>, %arg7: memref<1x1x4096x128xf32, #tpu.memory_space<vmem>>, %arg8: memref<1x1x8x64xi32, #tpu.memory_space<vmem>>, %arg9: memref<4096x192xf32, #tpu.memory_space<vmem>>) attributes {dimension_semantics = [#tpu.dimension_semantics<arbitrary>, #tpu.dimension_semantics<arbitrary>], iteration_bounds = array<i64: 2, 8>, scalar_prefetch = 0 : i64, scratch_operands = 1 : i64, tpu.core_type = #tpu.core_type<tc>, window_params = [{transform_indices = @transform_0, window_bounds = array<i64: 1, 4096, 192>}, {pipeline_mode = #tpu.pipeline_mode<synchronous>, transform_indices = @transform_1, window_bounds = array<i64: 1, 192>}, {pipeline_mode = #tpu.pipeline_mode<synchronous>, transform_indices = @transform_2, window_bounds = array<i64: 1, 192>}, {transform_indices = @transform_3, window_bounds = array<i64: 1, 192, 192>}, {transform_indices = @transform_4, window_bounds = array<i64: 1, 1, 4096, 64>}, {transform_indices = @transform_5, window_bounds = array<i64: 1, 1, 4096, 128>}, {transform_indices = @transform_6, window_bounds = array<i64: 1, 1, 8, 64>}]} {
    %eq3A = arith.constant 0 : i32
    %eq3A_0 = arith.cmpi eq, %arg1, %eq3A : i32
    %convert_element_type3A = arith.extui %eq3A_0 : i1 to i32
    %cond3A = arith.constant 0 : i32
    %cond3A_1 = arith.cmpi ne, %convert_element_type3A, %cond3A : i32
    scf.if %cond3A_1 {
      %get3A_531 = arith.constant 0 : index
      %get3A_532 = arith.constant 0 : index
      %get3A_533 = arith.constant 0 : index
      %get3A_534 = vector.load %arg2[%get3A_531, %get3A_532, %get3A_533] : memref<1x4096x192xf32, #tpu.memory_space<vmem>>, vector<1x4096x192xf32>
      %get3A_535 = vector.shape_cast %get3A_534 : vector<1x4096x192xf32> to vector<4096x192xf32>
      %reduce_sum3A_536 = arith.constant dense<0.000000e+00> : vector<4096xf32>
      %reduce_sum3A_537 = vector.multi_reduction <add>, %get3A_535, %reduce_sum3A_536 [1] : vector<4096x192xf32> to vector<4096xf32>
      %broadcast_in_dim3A_538 = vector.shape_cast %reduce_sum3A_537 : vector<4096xf32> to vector<4096x1xf32>
      %div3A_539 = arith.constant 1.920000e+02 : f32
      %div3A_540 = vector.broadcast %div3A_539 : f32 to vector<4096x1xf32>
      %div3A_541 = arith.divf %broadcast_in_dim3A_538, %div3A_540 : vector<4096x1xf32>
      %sub3A_542 = vector.broadcast %div3A_541 : vector<4096x1xf32> to vector<4096x192xf32>
      %sub3A_543 = arith.subf %get3A_535, %sub3A_542 : vector<4096x192xf32>
      %mul3A_544 = arith.mulf %sub3A_543, %sub3A_543 : vector<4096x192xf32>
      %reduce_sum3A_545 = arith.constant dense<0.000000e+00> : vector<4096xf32>
      %reduce_sum3A_546 = vector.multi_reduction <add>, %mul3A_544, %reduce_sum3A_545 [1] : vector<4096x192xf32> to vector<4096xf32>
      %broadcast_in_dim3A_547 = vector.shape_cast %reduce_sum3A_546 : vector<4096xf32> to vector<4096x1xf32>
      %div3A_548 = arith.constant 1.920000e+02 : f32
      %div3A_549 = vector.broadcast %div3A_548 : f32 to vector<4096x1xf32>
      %div3A_550 = arith.divf %broadcast_in_dim3A_547, %div3A_549 : vector<4096x1xf32>
      %get3A_551 = arith.constant 0 : index
      %get3A_552 = arith.constant 0 : index
      %get3A_553 = vector.load %arg3[%get3A_551, %get3A_552] : memref<1x192xf32, #tpu.memory_space<vmem>>, vector<1x192xf32>
      %mul3A_554 = vector.broadcast %get3A_553 : vector<1x192xf32> to vector<4096x192xf32>
      %mul3A_555 = arith.mulf %mul3A_554, %sub3A_543 : vector<4096x192xf32>
      %sqrt3A_556 = math.sqrt %div3A_550 : vector<4096x1xf32>
      %add3A_557 = arith.constant 9.99999997E-7 : f32
      %add3A_558 = vector.broadcast %add3A_557 : f32 to vector<4096x1xf32>
      %add3A_559 = arith.addf %sqrt3A_556, %add3A_558 : vector<4096x1xf32>
      %div3A_560 = vector.broadcast %add3A_559 : vector<4096x1xf32> to vector<4096x192xf32>
      %div3A_561 = arith.divf %mul3A_555, %div3A_560 : vector<4096x192xf32>
      %get3A_562 = arith.constant 0 : index
      %get3A_563 = arith.constant 0 : index
      %get3A_564 = vector.load %arg4[%get3A_562, %get3A_563] : memref<1x192xf32, #tpu.memory_space<vmem>>, vector<1x192xf32>
      %add3A_565 = vector.broadcast %get3A_564 : vector<1x192xf32> to vector<4096x192xf32>
      %add3A_566 = arith.addf %div3A_561, %add3A_565 : vector<4096x192xf32>
      %swap3A_567 = arith.constant 0 : index
      %swap3A_568 = arith.constant 0 : index
      %swap3A_569 = vector.load %arg9[%swap3A_567, %swap3A_568] : memref<4096x192xf32, #tpu.memory_space<vmem>>, vector<4096x192xf32>
      tpu.vector_store %arg9[%swap3A_567, %swap3A_568], %add3A_566 {strides = array<i32>} : memref<4096x192xf32, #tpu.memory_space<vmem>>, vector<4096x192xf32>,
    } else {
    }
    %get3A = arith.constant 0 : index
    %get3A_2 = arith.constant 0 : index
    %get3A_3 = vector.load %arg9[%get3A, %get3A_2] : memref<4096x192xf32, #tpu.memory_space<vmem>>, vector<4096x192xf32>
    %get3A_4 = arith.constant 0 : index
    %get3A_5 = arith.constant 0 : index
    %get3A_6 = arith.constant 0 : index
    %get3A_7 = vector.load %arg5[%get3A_4, %get3A_5, %get3A_6] : memref<1x192x192xf32, #tpu.memory_space<vmem>>, vector<1x192x192xf32>
    %get3A_8 = vector.shape_cast %get3A_7 : vector<1x192x192xf32> to vector<192x192xf32>
    %dot_general3A = arith.constant dense<0.000000e+00> : vector<4096x192xf32>
    %dot_general3A_9 = tpu.matmul %get3A_3, %get3A_8, %dot_general3A {dimension_numbers = #tpu.dot_dimension_numbers<[1], [1], [0], [0], [0, 0, 1, 0], [], []>, transpose_lhs_hint = false} : vector<4096x192xf32>, vector<192x192xf32>, vector<4096x192xf32> -> vector<4096x192xf32>
    %slice3A = vector.extract_strided_slice %dot_general3A_9 {offsets = [0, 0], sizes = [4096, 64], strides = [1, 1]} : vector<4096x192xf32> to vector<4096x64xf32>
    %slice3A_10 = vector.extract_strided_slice %dot_general3A_9 {offsets = [0, 64], sizes = [4096, 64], strides = [1, 1]} : vector<4096x192xf32> to vector<4096x64xf32>
    %slice3A_11 = vector.extract_strided_slice %dot_general3A_9 {offsets = [0, 128], sizes = [4096, 64], strides = [1, 1]} : vector<4096x192xf32> to vector<4096x64xf32>
    %mul3A = arith.mulf %slice3A, %slice3A : vector<4096x64xf32>
    %reduce_sum3A = arith.constant dense<0.000000e+00> : vector<4096xf32>
    %reduce_sum3A_12 = vector.multi_reduction <add>, %mul3A, %reduce_sum3A [1] : vector<4096x64xf32> to vector<4096xf32>
    %broadcast_in_dim3A = vector.shape_cast %reduce_sum3A_12 : vector<4096xf32> to vector<4096x1xf32>
    %sqrt3A = math.sqrt %broadcast_in_dim3A : vector<4096x1xf32>
    %add3A = arith.constant 9.99999997E-7 : f32
    %add3A_13 = vector.broadcast %add3A : f32 to vector<4096x1xf32>
    %add3A_14 = arith.addf %sqrt3A, %add3A_13 : vector<4096x1xf32>
    %div3A = vector.broadcast %add3A_14 : vector<4096x1xf32> to vector<4096x64xf32>
    %div3A_15 = arith.divf %slice3A, %div3A : vector<4096x64xf32>
    %mul3A_16 = arith.mulf %slice3A_10, %slice3A_10 : vector<4096x64xf32>
    %reduce_sum3A_17 = arith.constant dense<0.000000e+00> : vector<4096xf32>
    %reduce_sum3A_18 = vector.multi_reduction <add>, %mul3A_16, %reduce_sum3A_17 [1] : vector<4096x64xf32> to vector<4096xf32>
    %broadcast_in_dim3A_19 = vector.shape_cast %reduce_sum3A_18 : vector<4096xf32> to vector<4096x1xf32>
    %sqrt3A_20 = math.sqrt %broadcast_in_dim3A_19 : vector<4096x1xf32>
    %add3A_21 = arith.constant 9.99999997E-7 : f32
    %add3A_22 = vector.broadcast %add3A_21 : f32 to vector<4096x1xf32>
    %add3A_23 = arith.addf %sqrt3A_20, %add3A_22 : vector<4096x1xf32>
    %div3A_24 = vector.broadcast %add3A_23 : vector<4096x1xf32> to vector<4096x64xf32>
    %div3A_25 = arith.divf %slice3A_10, %div3A_24 : vector<4096x64xf32>
    %swap3A = arith.constant 0 : index
    %swap3A_26 = arith.constant 0 : index
    %swap3A_27 = arith.constant 0 : index
    %swap3A_28 = arith.constant 0 : index
    %swap3A_29 = vector.load %arg6[%swap3A, %swap3A_26, %swap3A_27, %swap3A_28] : memref<1x1x4096x64xf32, #tpu.memory_space<vmem>>, vector<1x1x4096x64xf32>
    %swap3A_30 = vector.shape_cast %swap3A_29 : vector<1x1x4096x64xf32> to vector<4096x64xf32>
    %swap3A_31 = vector.shape_cast %div3A_15 : vector<4096x64xf32> to vector<1x1x4096x64xf32>
    tpu.vector_store %arg6[%swap3A, %swap3A_26, %swap3A_27, %swap3A_28], %swap3A_31 {strides = array<i32>} : memref<1x1x4096x64xf32, #tpu.memory_space<vmem>>, vector<1x1x4096x64xf32>,
    %concatenate3A = tpu.concatenate %div3A_25, %slice3A_11 in 1 : vector<4096x64xf32>, vector<4096x64xf32> -> vector<4096x128xf32>
    %swap3A_32 = arith.constant 0 : index
    %swap3A_33 = arith.constant 0 : index
    %swap3A_34 = arith.constant 0 : index
    %swap3A_35 = arith.constant 0 : index
    %swap3A_36 = vector.load %arg7[%swap3A_32, %swap3A_33, %swap3A_34, %swap3A_35] : memref<1x1x4096x128xf32, #tpu.memory_space<vmem>>, vector<1x1x4096x128xf32>
    %swap3A_37 = vector.shape_cast %swap3A_36 : vector<1x1x4096x128xf32> to vector<4096x128xf32>
    %swap3A_38 = vector.shape_cast %concatenate3A : vector<4096x128xf32> to vector<1x1x4096x128xf32>
    tpu.vector_store %arg7[%swap3A_32, %swap3A_33, %swap3A_34, %swap3A_35], %swap3A_38 {strides = array<i32>} : memref<1x1x4096x128xf32, #tpu.memory_space<vmem>>, vector<1x1x4096x128xf32>,
    %abs3A = math.absf %div3A_15 : vector<4096x64xf32>
    %reduce_sum3A_39 = arith.constant dense<0.000000e+00> : vector<64xf32>
    %reduce_sum3A_40 = vector.multi_reduction <add>, %abs3A, %reduce_sum3A_39 [0] : vector<4096x64xf32> to vector<64xf32>
    %broadcast_in_dim3A_41 = vector.shape_cast %reduce_sum3A_40 : vector<64xf32> to vector<1x64xf32>
    %abs3A_42 = math.absf %div3A_25 : vector<4096x64xf32>
    %reshape3A = vector.shape_cast %abs3A_42 : vector<4096x64xf32> to vector<16x256x64xf32>
    %reduce_sum3A_43 = arith.constant dense<0.000000e+00> : vector<16x64xf32>
    %reduce_sum3A_44 = vector.multi_reduction <add>, %reshape3A, %reduce_sum3A_43 [1] : vector<16x256x64xf32> to vector<16x64xf32>
    %reshape3A_45 = vector.shape_cast %abs3A_42 : vector<4096x64xf32> to vector<16x16x16x64xf32>
    %reduce_sum3A_46 = arith.constant dense<0.000000e+00> : vector<16x16x64xf32>
    %reduce_sum3A_47 = vector.multi_reduction <add>, %reshape3A_45, %reduce_sum3A_46 [0] : vector<16x16x16x64xf32> to vector<16x16x64xf32>
    %reduce_sum3A_48 = arith.constant dense<0.000000e+00> : vector<16x64xf32>
    %reduce_sum3A_49 = vector.multi_reduction <add>, %reduce_sum3A_47, %reduce_sum3A_48 [1] : vector<16x16x64xf32> to vector<16x64xf32>
    %reshape3A_50 = vector.shape_cast %abs3A_42 : vector<4096x64xf32> to vector<256x16x64xf32>
    %reduce_sum3A_51 = arith.constant dense<0.000000e+00> : vector<16x64xf32>
    %reduce_sum3A_52 = vector.multi_reduction <add>, %reshape3A_50, %reduce_sum3A_51 [0] : vector<256x16x64xf32> to vector<16x64xf32>
    %convert_element_type3A_53 = arith.truncf %broadcast_in_dim3A_41 : vector<1x64xf32> to vector<1x64xbf16>
    %convert_element_type3A_54 = arith.extf %convert_element_type3A_53 : vector<1x64xbf16> to vector<1x64xf32>
    %convert_element_type3A_55 = arith.truncf %reduce_sum3A_44 : vector<16x64xf32> to vector<16x64xbf16>
    %convert_element_type3A_56 = arith.extf %convert_element_type3A_55 : vector<16x64xbf16> to vector<16x64xf32>
    %mul3A_57 = vector.broadcast %convert_element_type3A_54 : vector<1x64xf32> to vector<16x64xf32>
    %mul3A_58 = arith.mulf %convert_element_type3A_56, %mul3A_57 : vector<16x64xf32>
    %reduce_sum3A_59 = arith.constant dense<0.000000e+00> : vector<16xf32>
    %reduce_sum3A_60 = vector.multi_reduction <add>, %mul3A_58, %reduce_sum3A_59 [1] : vector<16x64xf32> to vector<16xf32>
    %broadcast_in_dim3A_61 = vector.shape_cast %reduce_sum3A_60 : vector<16xf32> to vector<16x1xf32>
    %convert_element_type3A_62 = arith.truncf %reduce_sum3A_49 : vector<16x64xf32> to vector<16x64xbf16>
    %convert_element_type3A_63 = arith.extf %convert_element_type3A_62 : vector<16x64xbf16> to vector<16x64xf32>
    %mul3A_64 = vector.broadcast %convert_element_type3A_54 : vector<1x64xf32> to vector<16x64xf32>
    %mul3A_65 = arith.mulf %convert_element_type3A_63, %mul3A_64 : vector<16x64xf32>
    %reduce_sum3A_66 = arith.constant dense<0.000000e+00> : vector<16xf32>
    %reduce_sum3A_67 = vector.multi_reduction <add>, %mul3A_65, %reduce_sum3A_66 [1] : vector<16x64xf32> to vector<16xf32>
    %broadcast_in_dim3A_68 = vector.shape_cast %reduce_sum3A_67 : vector<16xf32> to vector<16x1xf32>
    %convert_element_type3A_69 = arith.truncf %reduce_sum3A_52 : vector<16x64xf32> to vector<16x64xbf16>
    %convert_element_type3A_70 = arith.extf %convert_element_type3A_69 : vector<16x64xbf16> to vector<16x64xf32>
    %mul3A_71 = vector.broadcast %convert_element_type3A_54 : vector<1x64xf32> to vector<16x64xf32>
    %mul3A_72 = arith.mulf %convert_element_type3A_70, %mul3A_71 : vector<16x64xf32>
    %reduce_sum3A_73 = arith.constant dense<0.000000e+00> : vector<16xf32>
    %reduce_sum3A_74 = vector.multi_reduction <add>, %mul3A_72, %reduce_sum3A_73 [1] : vector<16x64xf32> to vector<16xf32>
    %broadcast_in_dim3A_75 = vector.shape_cast %reduce_sum3A_74 : vector<16xf32> to vector<16x1xf32>
    %iota3A = tpu.iota {dimensions = array<i32: 0>} : vector<16x1xi32>
    %convert_element_type3A_76 = arith.sitofp %iota3A : vector<16x1xi32> to vector<16x1xf32>
    %reduce_max3A = arith.constant dense<0xFF800000> : vector<1xf32>
    %reduce_max3A_77 = vector.multi_reduction <maximumf>, %broadcast_in_dim3A_61, %reduce_max3A [0] : vector<16x1xf32> to vector<1xf32>
    %broadcast_in_dim3A_78 = vector.shape_cast %reduce_max3A_77 : vector<1xf32> to vector<1x1xf32>
    %eq3A_79 = vector.broadcast %broadcast_in_dim3A_78 : vector<1x1xf32> to vector<16x1xf32>
    %eq3A_80 = arith.cmpf oeq, %broadcast_in_dim3A_61, %eq3A_79 : vector<16x1xf32>
    %jit3A = arith.constant 3.000000e+38 : f32
    %broadcast_in_dim3A_81 = vector.broadcast %jit3A : f32 to vector<16x1xf32>
    %select_n3A = arith.select %eq3A_80, %convert_element_type3A_76, %broadcast_in_dim3A_81 : vector<16x1xi1>, vector<16x1xf32>
    %reduce_min3A = arith.constant dense<0x7F800000> : vector<1xf32>
    %reduce_min3A_82 = vector.multi_reduction <minimumf>, %select_n3A, %reduce_min3A [0] : vector<16x1xf32> to vector<1xf32>
    %broadcast_in_dim3A_83 = vector.shape_cast %reduce_min3A_82 : vector<1xf32> to vector<1x1xf32>
    %eq3A_84 = vector.broadcast %broadcast_in_dim3A_83 : vector<1x1xf32> to vector<16x1xf32>
    %eq3A_85 = arith.cmpf oeq, %select_n3A, %eq3A_84 : vector<16x1xf32>
    %jit3A_86 = arith.constant -3.000000e+38 : f32
    %broadcast_in_dim3A_87 = vector.broadcast %jit3A_86 : f32 to vector<16x1xf32>
    %select_n3A_88 = arith.select %eq3A_85, %broadcast_in_dim3A_87, %broadcast_in_dim3A_61 : vector<16x1xi1>, vector<16x1xf32>
    %reduce_max3A_89 = arith.constant dense<0xFF800000> : vector<1xf32>
    %reduce_max3A_90 = vector.multi_reduction <maximumf>, %select_n3A_88, %reduce_max3A_89 [0] : vector<16x1xf32> to vector<1xf32>
    %broadcast_in_dim3A_91 = vector.shape_cast %reduce_max3A_90 : vector<1xf32> to vector<1x1xf32>
    %eq3A_92 = vector.broadcast %broadcast_in_dim3A_91 : vector<1x1xf32> to vector<16x1xf32>
    %eq3A_93 = arith.cmpf oeq, %select_n3A_88, %eq3A_92 : vector<16x1xf32>
    %jit3A_94 = arith.constant 3.000000e+38 : f32
    %broadcast_in_dim3A_95 = vector.broadcast %jit3A_94 : f32 to vector<16x1xf32>
    %select_n3A_96 = arith.select %eq3A_93, %convert_element_type3A_76, %broadcast_in_dim3A_95 : vector<16x1xi1>, vector<16x1xf32>
    %reduce_min3A_97 = arith.constant dense<0x7F800000> : vector<1xf32>
    %reduce_min3A_98 = vector.multi_reduction <minimumf>, %select_n3A_96, %reduce_min3A_97 [0] : vector<16x1xf32> to vector<1xf32>
    %broadcast_in_dim3A_99 = vector.shape_cast %reduce_min3A_98 : vector<1xf32> to vector<1x1xf32>
    %eq3A_100 = vector.broadcast %broadcast_in_dim3A_99 : vector<1x1xf32> to vector<16x1xf32>
    %eq3A_101 = arith.cmpf oeq, %select_n3A_96, %eq3A_100 : vector<16x1xf32>
    %jit3A_102 = arith.constant -3.000000e+38 : f32
    %broadcast_in_dim3A_103 = vector.broadcast %jit3A_102 : f32 to vector<16x1xf32>
    %select_n3A_104 = arith.select %eq3A_101, %broadcast_in_dim3A_103, %select_n3A_88 : vector<16x1xi1>, vector<16x1xf32>
    %reduce_max3A_105 = arith.constant dense<0xFF800000> : vector<1xf32>
    %reduce_max3A_106 = vector.multi_reduction <maximumf>, %select_n3A_104, %reduce_max3A_105 [0] : vector<16x1xf32> to vector<1xf32>
    %broadcast_in_dim3A_107 = vector.shape_cast %reduce_max3A_106 : vector<1xf32> to vector<1x1xf32>
    %eq3A_108 = vector.broadcast %broadcast_in_dim3A_107 : vector<1x1xf32> to vector<16x1xf32>
    %eq3A_109 = arith.cmpf oeq, %select_n3A_104, %eq3A_108 : vector<16x1xf32>
    %jit3A_110 = arith.constant 3.000000e+38 : f32
    %broadcast_in_dim3A_111 = vector.broadcast %jit3A_110 : f32 to vector<16x1xf32>
    %select_n3A_112 = arith.select %eq3A_109, %convert_element_type3A_76, %broadcast_in_dim3A_111 : vector<16x1xi1>, vector<16x1xf32>
    %reduce_min3A_113 = arith.constant dense<0x7F800000> : vector<1xf32>
    %reduce_min3A_114 = vector.multi_reduction <minimumf>, %select_n3A_112, %reduce_min3A_113 [0] : vector<16x1xf32> to vector<1xf32>
    %broadcast_in_dim3A_115 = vector.shape_cast %reduce_min3A_114 : vector<1xf32> to vector<1x1xf32>
    %eq3A_116 = vector.broadcast %broadcast_in_dim3A_115 : vector<1x1xf32> to vector<16x1xf32>
    %eq3A_117 = arith.cmpf oeq, %select_n3A_112, %eq3A_116 : vector<16x1xf32>
    %jit3A_118 = arith.constant -3.000000e+38 : f32
    %broadcast_in_dim3A_119 = vector.broadcast %jit3A_118 : f32 to vector<16x1xf32>
    %select_n3A_120 = arith.select %eq3A_117, %broadcast_in_dim3A_119, %select_n3A_104 : vector<16x1xi1>, vector<16x1xf32>
    %reduce_max3A_121 = arith.constant dense<0xFF800000> : vector<1xf32>
    %reduce_max3A_122 = vector.multi_reduction <maximumf>, %select_n3A_120, %reduce_max3A_121 [0] : vector<16x1xf32> to vector<1xf32>
    %broadcast_in_dim3A_123 = vector.shape_cast %reduce_max3A_122 : vector<1xf32> to vector<1x1xf32>
    %eq3A_124 = vector.broadcast %broadcast_in_dim3A_123 : vector<1x1xf32> to vector<16x1xf32>
    %eq3A_125 = arith.cmpf oeq, %select_n3A_120, %eq3A_124 : vector<16x1xf32>
    %jit3A_126 = arith.constant 3.000000e+38 : f32
    %broadcast_in_dim3A_127 = vector.broadcast %jit3A_126 : f32 to vector<16x1xf32>
    %select_n3A_128 = arith.select %eq3A_125, %convert_element_type3A_76, %broadcast_in_dim3A_127 : vector<16x1xi1>, vector<16x1xf32>
    %reduce_min3A_129 = arith.constant dense<0x7F800000> : vector<1xf32>
    %reduce_min3A_130 = vector.multi_reduction <minimumf>, %select_n3A_128, %reduce_min3A_129 [0] : vector<16x1xf32> to vector<1xf32>
    %broadcast_in_dim3A_131 = vector.shape_cast %reduce_min3A_130 : vector<1xf32> to vector<1x1xf32>
    %eq3A_132 = vector.broadcast %broadcast_in_dim3A_131 : vector<1x1xf32> to vector<16x1xf32>
    %eq3A_133 = arith.cmpf oeq, %select_n3A_128, %eq3A_132 : vector<16x1xf32>
    %jit3A_134 = arith.constant -3.000000e+38 : f32
    %broadcast_in_dim3A_135 = vector.broadcast %jit3A_134 : f32 to vector<16x1xf32>
    %select_n3A_136 = arith.select %eq3A_133, %broadcast_in_dim3A_135, %select_n3A_120 : vector<16x1xi1>, vector<16x1xf32>
    %reduce_max3A_137 = arith.constant dense<0xFF800000> : vector<1xf32>
    %reduce_max3A_138 = vector.multi_reduction <maximumf>, %select_n3A_136, %reduce_max3A_137 [0] : vector<16x1xf32> to vector<1xf32>
    %broadcast_in_dim3A_139 = vector.shape_cast %reduce_max3A_138 : vector<1xf32> to vector<1x1xf32>
    %eq3A_140 = vector.broadcast %broadcast_in_dim3A_139 : vector<1x1xf32> to vector<16x1xf32>
    %eq3A_141 = arith.cmpf oeq, %select_n3A_136, %eq3A_140 : vector<16x1xf32>
    %jit3A_142 = arith.constant 3.000000e+38 : f32
    %broadcast_in_dim3A_143 = vector.broadcast %jit3A_142 : f32 to vector<16x1xf32>
    %select_n3A_144 = arith.select %eq3A_141, %convert_element_type3A_76, %broadcast_in_dim3A_143 : vector<16x1xi1>, vector<16x1xf32>
    %reduce_min3A_145 = arith.constant dense<0x7F800000> : vector<1xf32>
    %reduce_min3A_146 = vector.multi_reduction <minimumf>, %select_n3A_144, %reduce_min3A_145 [0] : vector<16x1xf32> to vector<1xf32>
    %broadcast_in_dim3A_147 = vector.shape_cast %reduce_min3A_146 : vector<1xf32> to vector<1x1xf32>
    %eq3A_148 = vector.broadcast %broadcast_in_dim3A_147 : vector<1x1xf32> to vector<16x1xf32>
    %eq3A_149 = arith.cmpf oeq, %select_n3A_144, %eq3A_148 : vector<16x1xf32>
    %jit3A_150 = arith.constant -3.000000e+38 : f32
    %broadcast_in_dim3A_151 = vector.broadcast %jit3A_150 : f32 to vector<16x1xf32>
    %select_n3A_152 = arith.select %eq3A_149, %broadcast_in_dim3A_151, %select_n3A_136 : vector<16x1xi1>, vector<16x1xf32>
    %reduce_max3A_153 = arith.constant dense<0xFF800000> : vector<1xf32>
    %reduce_max3A_154 = vector.multi_reduction <maximumf>, %select_n3A_152, %reduce_max3A_153 [0] : vector<16x1xf32> to vector<1xf32>
    %broadcast_in_dim3A_155 = vector.shape_cast %reduce_max3A_154 : vector<1xf32> to vector<1x1xf32>
    %eq3A_156 = vector.broadcast %broadcast_in_dim3A_155 : vector<1x1xf32> to vector<16x1xf32>
    %eq3A_157 = arith.cmpf oeq, %select_n3A_152, %eq3A_156 : vector<16x1xf32>
    %jit3A_158 = arith.constant 3.000000e+38 : f32
    %broadcast_in_dim3A_159 = vector.broadcast %jit3A_158 : f32 to vector<16x1xf32>
    %select_n3A_160 = arith.select %eq3A_157, %convert_element_type3A_76, %broadcast_in_dim3A_159 : vector<16x1xi1>, vector<16x1xf32>
    %reduce_min3A_161 = arith.constant dense<0x7F800000> : vector<1xf32>
    %reduce_min3A_162 = vector.multi_reduction <minimumf>, %select_n3A_160, %reduce_min3A_161 [0] : vector<16x1xf32> to vector<1xf32>
    %broadcast_in_dim3A_163 = vector.shape_cast %reduce_min3A_162 : vector<1xf32> to vector<1x1xf32>
    %eq3A_164 = vector.broadcast %broadcast_in_dim3A_163 : vector<1x1xf32> to vector<16x1xf32>
    %eq3A_165 = arith.cmpf oeq, %select_n3A_160, %eq3A_164 : vector<16x1xf32>
    %jit3A_166 = arith.constant -3.000000e+38 : f32
    %broadcast_in_dim3A_167 = vector.broadcast %jit3A_166 : f32 to vector<16x1xf32>
    %select_n3A_168 = arith.select %eq3A_165, %broadcast_in_dim3A_167, %select_n3A_152 : vector<16x1xi1>, vector<16x1xf32>
    %reduce_max3A_169 = arith.constant dense<0xFF800000> : vector<1xf32>
    %reduce_max3A_170 = vector.multi_reduction <maximumf>, %select_n3A_168, %reduce_max3A_169 [0] : vector<16x1xf32> to vector<1xf32>
    %broadcast_in_dim3A_171 = vector.shape_cast %reduce_max3A_170 : vector<1xf32> to vector<1x1xf32>
    %eq3A_172 = vector.broadcast %broadcast_in_dim3A_171 : vector<1x1xf32> to vector<16x1xf32>
    %eq3A_173 = arith.cmpf oeq, %select_n3A_168, %eq3A_172 : vector<16x1xf32>
    %jit3A_174 = arith.constant 3.000000e+38 : f32
    %broadcast_in_dim3A_175 = vector.broadcast %jit3A_174 : f32 to vector<16x1xf32>
    %select_n3A_176 = arith.select %eq3A_173, %convert_element_type3A_76, %broadcast_in_dim3A_175 : vector<16x1xi1>, vector<16x1xf32>
    %reduce_min3A_177 = arith.constant dense<0x7F800000> : vector<1xf32>
    %reduce_min3A_178 = vector.multi_reduction <minimumf>, %select_n3A_176, %reduce_min3A_177 [0] : vector<16x1xf32> to vector<1xf32>
    %broadcast_in_dim3A_179 = vector.shape_cast %reduce_min3A_178 : vector<1xf32> to vector<1x1xf32>
    %eq3A_180 = vector.broadcast %broadcast_in_dim3A_179 : vector<1x1xf32> to vector<16x1xf32>
    %eq3A_181 = arith.cmpf oeq, %select_n3A_176, %eq3A_180 : vector<16x1xf32>
    %jit3A_182 = arith.constant -3.000000e+38 : f32
    %broadcast_in_dim3A_183 = vector.broadcast %jit3A_182 : f32 to vector<16x1xf32>
    %select_n3A_184 = arith.select %eq3A_181, %broadcast_in_dim3A_183, %select_n3A_168 : vector<16x1xi1>, vector<16x1xf32>
    %reduce_max3A_185 = arith.constant dense<0xFF800000> : vector<1xf32>
    %reduce_max3A_186 = vector.multi_reduction <maximumf>, %select_n3A_184, %reduce_max3A_185 [0] : vector<16x1xf32> to vector<1xf32>
    %broadcast_in_dim3A_187 = vector.shape_cast %reduce_max3A_186 : vector<1xf32> to vector<1x1xf32>
    %eq3A_188 = vector.broadcast %broadcast_in_dim3A_187 : vector<1x1xf32> to vector<16x1xf32>
    %eq3A_189 = arith.cmpf oeq, %select_n3A_184, %eq3A_188 : vector<16x1xf32>
    %jit3A_190 = arith.constant 3.000000e+38 : f32
    %broadcast_in_dim3A_191 = vector.broadcast %jit3A_190 : f32 to vector<16x1xf32>
    %select_n3A_192 = arith.select %eq3A_189, %convert_element_type3A_76, %broadcast_in_dim3A_191 : vector<16x1xi1>, vector<16x1xf32>
    %reduce_min3A_193 = arith.constant dense<0x7F800000> : vector<1xf32>
    %reduce_min3A_194 = vector.multi_reduction <minimumf>, %select_n3A_192, %reduce_min3A_193 [0] : vector<16x1xf32> to vector<1xf32>
    %broadcast_in_dim3A_195 = vector.shape_cast %reduce_min3A_194 : vector<1xf32> to vector<1x1xf32>
    %concatenate3A_196 = tpu.concatenate %broadcast_in_dim3A_83, %broadcast_in_dim3A_99, %broadcast_in_dim3A_115, %broadcast_in_dim3A_131, %broadcast_in_dim3A_147, %broadcast_in_dim3A_163, %broadcast_in_dim3A_179, %broadcast_in_dim3A_195 in 0 : vector<1x1xf32>, vector<1x1xf32>, vector<1x1xf32>, vector<1x1xf32>, vector<1x1xf32>, vector<1x1xf32>, vector<1x1xf32>, vector<1x1xf32> -> vector<8x1xf32>
    %reduce_max3A_197 = arith.constant dense<0xFF800000> : vector<1xf32>
    %reduce_max3A_198 = vector.multi_reduction <maximumf>, %broadcast_in_dim3A_68, %reduce_max3A_197 [0] : vector<16x1xf32> to vector<1xf32>
    %broadcast_in_dim3A_199 = vector.shape_cast %reduce_max3A_198 : vector<1xf32> to vector<1x1xf32>
    %eq3A_200 = vector.broadcast %broadcast_in_dim3A_199 : vector<1x1xf32> to vector<16x1xf32>
    %eq3A_201 = arith.cmpf oeq, %broadcast_in_dim3A_68, %eq3A_200 : vector<16x1xf32>
    %jit3A_202 = arith.constant 3.000000e+38 : f32
    %broadcast_in_dim3A_203 = vector.broadcast %jit3A_202 : f32 to vector<16x1xf32>
    %select_n3A_204 = arith.select %eq3A_201, %convert_element_type3A_76, %broadcast_in_dim3A_203 : vector<16x1xi1>, vector<16x1xf32>
    %reduce_min3A_205 = arith.constant dense<0x7F800000> : vector<1xf32>
    %reduce_min3A_206 = vector.multi_reduction <minimumf>, %select_n3A_204, %reduce_min3A_205 [0] : vector<16x1xf32> to vector<1xf32>
    %broadcast_in_dim3A_207 = vector.shape_cast %reduce_min3A_206 : vector<1xf32> to vector<1x1xf32>
    %eq3A_208 = vector.broadcast %broadcast_in_dim3A_207 : vector<1x1xf32> to vector<16x1xf32>
    %eq3A_209 = arith.cmpf oeq, %select_n3A_204, %eq3A_208 : vector<16x1xf32>
    %jit3A_210 = arith.constant -3.000000e+38 : f32
    %broadcast_in_dim3A_211 = vector.broadcast %jit3A_210 : f32 to vector<16x1xf32>
    %select_n3A_212 = arith.select %eq3A_209, %broadcast_in_dim3A_211, %broadcast_in_dim3A_68 : vector<16x1xi1>, vector<16x1xf32>
    %reduce_max3A_213 = arith.constant dense<0xFF800000> : vector<1xf32>
    %reduce_max3A_214 = vector.multi_reduction <maximumf>, %select_n3A_212, %reduce_max3A_213 [0] : vector<16x1xf32> to vector<1xf32>
    %broadcast_in_dim3A_215 = vector.shape_cast %reduce_max3A_214 : vector<1xf32> to vector<1x1xf32>
    %eq3A_216 = vector.broadcast %broadcast_in_dim3A_215 : vector<1x1xf32> to vector<16x1xf32>
    %eq3A_217 = arith.cmpf oeq, %select_n3A_212, %eq3A_216 : vector<16x1xf32>
    %jit3A_218 = arith.constant 3.000000e+38 : f32
    %broadcast_in_dim3A_219 = vector.broadcast %jit3A_218 : f32 to vector<16x1xf32>
    %select_n3A_220 = arith.select %eq3A_217, %convert_element_type3A_76, %broadcast_in_dim3A_219 : vector<16x1xi1>, vector<16x1xf32>
    %reduce_min3A_221 = arith.constant dense<0x7F800000> : vector<1xf32>
    %reduce_min3A_222 = vector.multi_reduction <minimumf>, %select_n3A_220, %reduce_min3A_221 [0] : vector<16x1xf32> to vector<1xf32>
    %broadcast_in_dim3A_223 = vector.shape_cast %reduce_min3A_222 : vector<1xf32> to vector<1x1xf32>
    %eq3A_224 = vector.broadcast %broadcast_in_dim3A_223 : vector<1x1xf32> to vector<16x1xf32>
    %eq3A_225 = arith.cmpf oeq, %select_n3A_220, %eq3A_224 : vector<16x1xf32>
    %jit3A_226 = arith.constant -3.000000e+38 : f32
    %broadcast_in_dim3A_227 = vector.broadcast %jit3A_226 : f32 to vector<16x1xf32>
    %select_n3A_228 = arith.select %eq3A_225, %broadcast_in_dim3A_227, %select_n3A_212 : vector<16x1xi1>, vector<16x1xf32>
    %reduce_max3A_229 = arith.constant dense<0xFF800000> : vector<1xf32>
    %reduce_max3A_230 = vector.multi_reduction <maximumf>, %select_n3A_228, %reduce_max3A_229 [0] : vector<16x1xf32> to vector<1xf32>
    %broadcast_in_dim3A_231 = vector.shape_cast %reduce_max3A_230 : vector<1xf32> to vector<1x1xf32>
    %eq3A_232 = vector.broadcast %broadcast_in_dim3A_231 : vector<1x1xf32> to vector<16x1xf32>
    %eq3A_233 = arith.cmpf oeq, %select_n3A_228, %eq3A_232 : vector<16x1xf32>
    %jit3A_234 = arith.constant 3.000000e+38 : f32
    %broadcast_in_dim3A_235 = vector.broadcast %jit3A_234 : f32 to vector<16x1xf32>
    %select_n3A_236 = arith.select %eq3A_233, %convert_element_type3A_76, %broadcast_in_dim3A_235 : vector<16x1xi1>, vector<16x1xf32>
    %reduce_min3A_237 = arith.constant dense<0x7F800000> : vector<1xf32>
    %reduce_min3A_238 = vector.multi_reduction <minimumf>, %select_n3A_236, %reduce_min3A_237 [0] : vector<16x1xf32> to vector<1xf32>
    %broadcast_in_dim3A_239 = vector.shape_cast %reduce_min3A_238 : vector<1xf32> to vector<1x1xf32>
    %eq3A_240 = vector.broadcast %broadcast_in_dim3A_239 : vector<1x1xf32> to vector<16x1xf32>
    %eq3A_241 = arith.cmpf oeq, %select_n3A_236, %eq3A_240 : vector<16x1xf32>
    %jit3A_242 = arith.constant -3.000000e+38 : f32
    %broadcast_in_dim3A_243 = vector.broadcast %jit3A_242 : f32 to vector<16x1xf32>
    %select_n3A_244 = arith.select %eq3A_241, %broadcast_in_dim3A_243, %select_n3A_228 : vector<16x1xi1>, vector<16x1xf32>
    %reduce_max3A_245 = arith.constant dense<0xFF800000> : vector<1xf32>
    %reduce_max3A_246 = vector.multi_reduction <maximumf>, %select_n3A_244, %reduce_max3A_245 [0] : vector<16x1xf32> to vector<1xf32>
    %broadcast_in_dim3A_247 = vector.shape_cast %reduce_max3A_246 : vector<1xf32> to vector<1x1xf32>
    %eq3A_248 = vector.broadcast %broadcast_in_dim3A_247 : vector<1x1xf32> to vector<16x1xf32>
    %eq3A_249 = arith.cmpf oeq, %select_n3A_244, %eq3A_248 : vector<16x1xf32>
    %jit3A_250 = arith.constant 3.000000e+38 : f32
    %broadcast_in_dim3A_251 = vector.broadcast %jit3A_250 : f32 to vector<16x1xf32>
    %select_n3A_252 = arith.select %eq3A_249, %convert_element_type3A_76, %broadcast_in_dim3A_251 : vector<16x1xi1>, vector<16x1xf32>
    %reduce_min3A_253 = arith.constant dense<0x7F800000> : vector<1xf32>
    %reduce_min3A_254 = vector.multi_reduction <minimumf>, %select_n3A_252, %reduce_min3A_253 [0] : vector<16x1xf32> to vector<1xf32>
    %broadcast_in_dim3A_255 = vector.shape_cast %reduce_min3A_254 : vector<1xf32> to vector<1x1xf32>
    %eq3A_256 = vector.broadcast %broadcast_in_dim3A_255 : vector<1x1xf32> to vector<16x1xf32>
    %eq3A_257 = arith.cmpf oeq, %select_n3A_252, %eq3A_256 : vector<16x1xf32>
    %jit3A_258 = arith.constant -3.000000e+38 : f32
    %broadcast_in_dim3A_259 = vector.broadcast %jit3A_258 : f32 to vector<16x1xf32>
    %select_n3A_260 = arith.select %eq3A_257, %broadcast_in_dim3A_259, %select_n3A_244 : vector<16x1xi1>, vector<16x1xf32>
    %reduce_max3A_261 = arith.constant dense<0xFF800000> : vector<1xf32>
    %reduce_max3A_262 = vector.multi_reduction <maximumf>, %select_n3A_260, %reduce_max3A_261 [0] : vector<16x1xf32> to vector<1xf32>
    %broadcast_in_dim3A_263 = vector.shape_cast %reduce_max3A_262 : vector<1xf32> to vector<1x1xf32>
    %eq3A_264 = vector.broadcast %broadcast_in_dim3A_263 : vector<1x1xf32> to vector<16x1xf32>
    %eq3A_265 = arith.cmpf oeq, %select_n3A_260, %eq3A_264 : vector<16x1xf32>
    %jit3A_266 = arith.constant 3.000000e+38 : f32
    %broadcast_in_dim3A_267 = vector.broadcast %jit3A_266 : f32 to vector<16x1xf32>
    %select_n3A_268 = arith.select %eq3A_265, %convert_element_type3A_76, %broadcast_in_dim3A_267 : vector<16x1xi1>, vector<16x1xf32>
    %reduce_min3A_269 = arith.constant dense<0x7F800000> : vector<1xf32>
    %reduce_min3A_270 = vector.multi_reduction <minimumf>, %select_n3A_268, %reduce_min3A_269 [0] : vector<16x1xf32> to vector<1xf32>
    %broadcast_in_dim3A_271 = vector.shape_cast %reduce_min3A_270 : vector<1xf32> to vector<1x1xf32>
    %eq3A_272 = vector.broadcast %broadcast_in_dim3A_271 : vector<1x1xf32> to vector<16x1xf32>
    %eq3A_273 = arith.cmpf oeq, %select_n3A_268, %eq3A_272 : vector<16x1xf32>
    %jit3A_274 = arith.constant -3.000000e+38 : f32
    %broadcast_in_dim3A_275 = vector.broadcast %jit3A_274 : f32 to vector<16x1xf32>
    %select_n3A_276 = arith.select %eq3A_273, %broadcast_in_dim3A_275, %select_n3A_260 : vector<16x1xi1>, vector<16x1xf32>
    %reduce_max3A_277 = arith.constant dense<0xFF800000> : vector<1xf32>
    %reduce_max3A_278 = vector.multi_reduction <maximumf>, %select_n3A_276, %reduce_max3A_277 [0] : vector<16x1xf32> to vector<1xf32>
    %broadcast_in_dim3A_279 = vector.shape_cast %reduce_max3A_278 : vector<1xf32> to vector<1x1xf32>
    %eq3A_280 = vector.broadcast %broadcast_in_dim3A_279 : vector<1x1xf32> to vector<16x1xf32>
    %eq3A_281 = arith.cmpf oeq, %select_n3A_276, %eq3A_280 : vector<16x1xf32>
    %jit3A_282 = arith.constant 3.000000e+38 : f32
    %broadcast_in_dim3A_283 = vector.broadcast %jit3A_282 : f32 to vector<16x1xf32>
    %select_n3A_284 = arith.select %eq3A_281, %convert_element_type3A_76, %broadcast_in_dim3A_283 : vector<16x1xi1>, vector<16x1xf32>
    %reduce_min3A_285 = arith.constant dense<0x7F800000> : vector<1xf32>
    %reduce_min3A_286 = vector.multi_reduction <minimumf>, %select_n3A_284, %reduce_min3A_285 [0] : vector<16x1xf32> to vector<1xf32>
    %broadcast_in_dim3A_287 = vector.shape_cast %reduce_min3A_286 : vector<1xf32> to vector<1x1xf32>
    %eq3A_288 = vector.broadcast %broadcast_in_dim3A_287 : vector<1x1xf32> to vector<16x1xf32>
    %eq3A_289 = arith.cmpf oeq, %select_n3A_284, %eq3A_288 : vector<16x1xf32>
    %jit3A_290 = arith.constant -3.000000e+38 : f32
    %broadcast_in_dim3A_291 = vector.broadcast %jit3A_290 : f32 to vector<16x1xf32>
    %select_n3A_292 = arith.select %eq3A_289, %broadcast_in_dim3A_291, %select_n3A_276 : vector<16x1xi1>, vector<16x1xf32>
    %reduce_max3A_293 = arith.constant dense<0xFF800000> : vector<1xf32>
    %reduce_max3A_294 = vector.multi_reduction <maximumf>, %select_n3A_292, %reduce_max3A_293 [0] : vector<16x1xf32> to vector<1xf32>
    %broadcast_in_dim3A_295 = vector.shape_cast %reduce_max3A_294 : vector<1xf32> to vector<1x1xf32>
    %eq3A_296 = vector.broadcast %broadcast_in_dim3A_295 : vector<1x1xf32> to vector<16x1xf32>
    %eq3A_297 = arith.cmpf oeq, %select_n3A_292, %eq3A_296 : vector<16x1xf32>
    %jit3A_298 = arith.constant 3.000000e+38 : f32
    %broadcast_in_dim3A_299 = vector.broadcast %jit3A_298 : f32 to vector<16x1xf32>
    %select_n3A_300 = arith.select %eq3A_297, %convert_element_type3A_76, %broadcast_in_dim3A_299 : vector<16x1xi1>, vector<16x1xf32>
    %reduce_min3A_301 = arith.constant dense<0x7F800000> : vector<1xf32>
    %reduce_min3A_302 = vector.multi_reduction <minimumf>, %select_n3A_300, %reduce_min3A_301 [0] : vector<16x1xf32> to vector<1xf32>
    %broadcast_in_dim3A_303 = vector.shape_cast %reduce_min3A_302 : vector<1xf32> to vector<1x1xf32>
    %eq3A_304 = vector.broadcast %broadcast_in_dim3A_303 : vector<1x1xf32> to vector<16x1xf32>
    %eq3A_305 = arith.cmpf oeq, %select_n3A_300, %eq3A_304 : vector<16x1xf32>
    %jit3A_306 = arith.constant -3.000000e+38 : f32
    %broadcast_in_dim3A_307 = vector.broadcast %jit3A_306 : f32 to vector<16x1xf32>
    %select_n3A_308 = arith.select %eq3A_305, %broadcast_in_dim3A_307, %select_n3A_292 : vector<16x1xi1>, vector<16x1xf32>
    %reduce_max3A_309 = arith.constant dense<0xFF800000> : vector<1xf32>
    %reduce_max3A_310 = vector.multi_reduction <maximumf>, %select_n3A_308, %reduce_max3A_309 [0] : vector<16x1xf32> to vector<1xf32>
    %broadcast_in_dim3A_311 = vector.shape_cast %reduce_max3A_310 : vector<1xf32> to vector<1x1xf32>
    %eq3A_312 = vector.broadcast %broadcast_in_dim3A_311 : vector<1x1xf32> to vector<16x1xf32>
    %eq3A_313 = arith.cmpf oeq, %select_n3A_308, %eq3A_312 : vector<16x1xf32>
    %jit3A_314 = arith.constant 3.000000e+38 : f32
    %broadcast_in_dim3A_315 = vector.broadcast %jit3A_314 : f32 to vector<16x1xf32>
    %select_n3A_316 = arith.select %eq3A_313, %convert_element_type3A_76, %broadcast_in_dim3A_315 : vector<16x1xi1>, vector<16x1xf32>
    %reduce_min3A_317 = arith.constant dense<0x7F800000> : vector<1xf32>
    %reduce_min3A_318 = vector.multi_reduction <minimumf>, %select_n3A_316, %reduce_min3A_317 [0] : vector<16x1xf32> to vector<1xf32>
    %broadcast_in_dim3A_319 = vector.shape_cast %reduce_min3A_318 : vector<1xf32> to vector<1x1xf32>
    %concatenate3A_320 = tpu.concatenate %broadcast_in_dim3A_207, %broadcast_in_dim3A_223, %broadcast_in_dim3A_239, %broadcast_in_dim3A_255, %broadcast_in_dim3A_271, %broadcast_in_dim3A_287, %broadcast_in_dim3A_303, %broadcast_in_dim3A_319 in 1 : vector<1x1xf32>, vector<1x1xf32>, vector<1x1xf32>, vector<1x1xf32>, vector<1x1xf32>, vector<1x1xf32>, vector<1x1xf32>, vector<1x1xf32> -> vector<1x8xf32>
    %reduce_max3A_321 = arith.constant dense<0xFF800000> : vector<1xf32>
    %reduce_max3A_322 = vector.multi_reduction <maximumf>, %broadcast_in_dim3A_75, %reduce_max3A_321 [0] : vector<16x1xf32> to vector<1xf32>
    %broadcast_in_dim3A_323 = vector.shape_cast %reduce_max3A_322 : vector<1xf32> to vector<1x1xf32>
    %eq3A_324 = vector.broadcast %broadcast_in_dim3A_323 : vector<1x1xf32> to vector<16x1xf32>
    %eq3A_325 = arith.cmpf oeq, %broadcast_in_dim3A_75, %eq3A_324 : vector<16x1xf32>
    %jit3A_326 = arith.constant 3.000000e+38 : f32
    %broadcast_in_dim3A_327 = vector.broadcast %jit3A_326 : f32 to vector<16x1xf32>
    %select_n3A_328 = arith.select %eq3A_325, %convert_element_type3A_76, %broadcast_in_dim3A_327 : vector<16x1xi1>, vector<16x1xf32>
    %reduce_min3A_329 = arith.constant dense<0x7F800000> : vector<1xf32>
    %reduce_min3A_330 = vector.multi_reduction <minimumf>, %select_n3A_328, %reduce_min3A_329 [0] : vector<16x1xf32> to vector<1xf32>
    %broadcast_in_dim3A_331 = vector.shape_cast %reduce_min3A_330 : vector<1xf32> to vector<1x1xf32>
    %eq3A_332 = vector.broadcast %broadcast_in_dim3A_331 : vector<1x1xf32> to vector<16x1xf32>
    %eq3A_333 = arith.cmpf oeq, %select_n3A_328, %eq3A_332 : vector<16x1xf32>
    %jit3A_334 = arith.constant -3.000000e+38 : f32
    %broadcast_in_dim3A_335 = vector.broadcast %jit3A_334 : f32 to vector<16x1xf32>
    %select_n3A_336 = arith.select %eq3A_333, %broadcast_in_dim3A_335, %broadcast_in_dim3A_75 : vector<16x1xi1>, vector<16x1xf32>
    %reduce_max3A_337 = arith.constant dense<0xFF800000> : vector<1xf32>
    %reduce_max3A_338 = vector.multi_reduction <maximumf>, %select_n3A_336, %reduce_max3A_337 [0] : vector<16x1xf32> to vector<1xf32>
    %broadcast_in_dim3A_339 = vector.shape_cast %reduce_max3A_338 : vector<1xf32> to vector<1x1xf32>
    %eq3A_340 = vector.broadcast %broadcast_in_dim3A_339 : vector<1x1xf32> to vector<16x1xf32>
    %eq3A_341 = arith.cmpf oeq, %select_n3A_336, %eq3A_340 : vector<16x1xf32>
    %jit3A_342 = arith.constant 3.000000e+38 : f32
    %broadcast_in_dim3A_343 = vector.broadcast %jit3A_342 : f32 to vector<16x1xf32>
    %select_n3A_344 = arith.select %eq3A_341, %convert_element_type3A_76, %broadcast_in_dim3A_343 : vector<16x1xi1>, vector<16x1xf32>
    %reduce_min3A_345 = arith.constant dense<0x7F800000> : vector<1xf32>
    %reduce_min3A_346 = vector.multi_reduction <minimumf>, %select_n3A_344, %reduce_min3A_345 [0] : vector<16x1xf32> to vector<1xf32>
    %broadcast_in_dim3A_347 = vector.shape_cast %reduce_min3A_346 : vector<1xf32> to vector<1x1xf32>
    %eq3A_348 = vector.broadcast %broadcast_in_dim3A_347 : vector<1x1xf32> to vector<16x1xf32>
    %eq3A_349 = arith.cmpf oeq, %select_n3A_344, %eq3A_348 : vector<16x1xf32>
    %jit3A_350 = arith.constant -3.000000e+38 : f32
    %broadcast_in_dim3A_351 = vector.broadcast %jit3A_350 : f32 to vector<16x1xf32>
    %select_n3A_352 = arith.select %eq3A_349, %broadcast_in_dim3A_351, %select_n3A_336 : vector<16x1xi1>, vector<16x1xf32>
    %reduce_max3A_353 = arith.constant dense<0xFF800000> : vector<1xf32>
    %reduce_max3A_354 = vector.multi_reduction <maximumf>, %select_n3A_352, %reduce_max3A_353 [0] : vector<16x1xf32> to vector<1xf32>
    %broadcast_in_dim3A_355 = vector.shape_cast %reduce_max3A_354 : vector<1xf32> to vector<1x1xf32>
    %eq3A_356 = vector.broadcast %broadcast_in_dim3A_355 : vector<1x1xf32> to vector<16x1xf32>
    %eq3A_357 = arith.cmpf oeq, %select_n3A_352, %eq3A_356 : vector<16x1xf32>
    %jit3A_358 = arith.constant 3.000000e+38 : f32
    %broadcast_in_dim3A_359 = vector.broadcast %jit3A_358 : f32 to vector<16x1xf32>
    %select_n3A_360 = arith.select %eq3A_357, %convert_element_type3A_76, %broadcast_in_dim3A_359 : vector<16x1xi1>, vector<16x1xf32>
    %reduce_min3A_361 = arith.constant dense<0x7F800000> : vector<1xf32>
    %reduce_min3A_362 = vector.multi_reduction <minimumf>, %select_n3A_360, %reduce_min3A_361 [0] : vector<16x1xf32> to vector<1xf32>
    %broadcast_in_dim3A_363 = vector.shape_cast %reduce_min3A_362 : vector<1xf32> to vector<1x1xf32>
    %eq3A_364 = vector.broadcast %broadcast_in_dim3A_363 : vector<1x1xf32> to vector<16x1xf32>
    %eq3A_365 = arith.cmpf oeq, %select_n3A_360, %eq3A_364 : vector<16x1xf32>
    %jit3A_366 = arith.constant -3.000000e+38 : f32
    %broadcast_in_dim3A_367 = vector.broadcast %jit3A_366 : f32 to vector<16x1xf32>
    %select_n3A_368 = arith.select %eq3A_365, %broadcast_in_dim3A_367, %select_n3A_352 : vector<16x1xi1>, vector<16x1xf32>
    %reduce_max3A_369 = arith.constant dense<0xFF800000> : vector<1xf32>
    %reduce_max3A_370 = vector.multi_reduction <maximumf>, %select_n3A_368, %reduce_max3A_369 [0] : vector<16x1xf32> to vector<1xf32>
    %broadcast_in_dim3A_371 = vector.shape_cast %reduce_max3A_370 : vector<1xf32> to vector<1x1xf32>
    %eq3A_372 = vector.broadcast %broadcast_in_dim3A_371 : vector<1x1xf32> to vector<16x1xf32>
    %eq3A_373 = arith.cmpf oeq, %select_n3A_368, %eq3A_372 : vector<16x1xf32>
    %jit3A_374 = arith.constant 3.000000e+38 : f32
    %broadcast_in_dim3A_375 = vector.broadcast %jit3A_374 : f32 to vector<16x1xf32>
    %select_n3A_376 = arith.select %eq3A_373, %convert_element_type3A_76, %broadcast_in_dim3A_375 : vector<16x1xi1>, vector<16x1xf32>
    %reduce_min3A_377 = arith.constant dense<0x7F800000> : vector<1xf32>
    %reduce_min3A_378 = vector.multi_reduction <minimumf>, %select_n3A_376, %reduce_min3A_377 [0] : vector<16x1xf32> to vector<1xf32>
    %broadcast_in_dim3A_379 = vector.shape_cast %reduce_min3A_378 : vector<1xf32> to vector<1x1xf32>
    %eq3A_380 = vector.broadcast %broadcast_in_dim3A_379 : vector<1x1xf32> to vector<16x1xf32>
    %eq3A_381 = arith.cmpf oeq, %select_n3A_376, %eq3A_380 : vector<16x1xf32>
    %jit3A_382 = arith.constant -3.000000e+38 : f32
    %broadcast_in_dim3A_383 = vector.broadcast %jit3A_382 : f32 to vector<16x1xf32>
    %select_n3A_384 = arith.select %eq3A_381, %broadcast_in_dim3A_383, %select_n3A_368 : vector<16x1xi1>, vector<16x1xf32>
    %reduce_max3A_385 = arith.constant dense<0xFF800000> : vector<1xf32>
    %reduce_max3A_386 = vector.multi_reduction <maximumf>, %select_n3A_384, %reduce_max3A_385 [0] : vector<16x1xf32> to vector<1xf32>
    %broadcast_in_dim3A_387 = vector.shape_cast %reduce_max3A_386 : vector<1xf32> to vector<1x1xf32>
    %eq3A_388 = vector.broadcast %broadcast_in_dim3A_387 : vector<1x1xf32> to vector<16x1xf32>
    %eq3A_389 = arith.cmpf oeq, %select_n3A_384, %eq3A_388 : vector<16x1xf32>
    %jit3A_390 = arith.constant 3.000000e+38 : f32
    %broadcast_in_dim3A_391 = vector.broadcast %jit3A_390 : f32 to vector<16x1xf32>
    %select_n3A_392 = arith.select %eq3A_389, %convert_element_type3A_76, %broadcast_in_dim3A_391 : vector<16x1xi1>, vector<16x1xf32>
    %reduce_min3A_393 = arith.constant dense<0x7F800000> : vector<1xf32>
    %reduce_min3A_394 = vector.multi_reduction <minimumf>, %select_n3A_392, %reduce_min3A_393 [0] : vector<16x1xf32> to vector<1xf32>
    %broadcast_in_dim3A_395 = vector.shape_cast %reduce_min3A_394 : vector<1xf32> to vector<1x1xf32>
    %eq3A_396 = vector.broadcast %broadcast_in_dim3A_395 : vector<1x1xf32> to vector<16x1xf32>
    %eq3A_397 = arith.cmpf oeq, %select_n3A_392, %eq3A_396 : vector<16x1xf32>
    %jit3A_398 = arith.constant -3.000000e+38 : f32
    %broadcast_in_dim3A_399 = vector.broadcast %jit3A_398 : f32 to vector<16x1xf32>
    %select_n3A_400 = arith.select %eq3A_397, %broadcast_in_dim3A_399, %select_n3A_384 : vector<16x1xi1>, vector<16x1xf32>
    %reduce_max3A_401 = arith.constant dense<0xFF800000> : vector<1xf32>
    %reduce_max3A_402 = vector.multi_reduction <maximumf>, %select_n3A_400, %reduce_max3A_401 [0] : vector<16x1xf32> to vector<1xf32>
    %broadcast_in_dim3A_403 = vector.shape_cast %reduce_max3A_402 : vector<1xf32> to vector<1x1xf32>
    %eq3A_404 = vector.broadcast %broadcast_in_dim3A_403 : vector<1x1xf32> to vector<16x1xf32>
    %eq3A_405 = arith.cmpf oeq, %select_n3A_400, %eq3A_404 : vector<16x1xf32>
    %jit3A_406 = arith.constant 3.000000e+38 : f32
    %broadcast_in_dim3A_407 = vector.broadcast %jit3A_406 : f32 to vector<16x1xf32>
    %select_n3A_408 = arith.select %eq3A_405, %convert_element_type3A_76, %broadcast_in_dim3A_407 : vector<16x1xi1>, vector<16x1xf32>
    %reduce_min3A_409 = arith.constant dense<0x7F800000> : vector<1xf32>
    %reduce_min3A_410 = vector.multi_reduction <minimumf>, %select_n3A_408, %reduce_min3A_409 [0] : vector<16x1xf32> to vector<1xf32>
    %broadcast_in_dim3A_411 = vector.shape_cast %reduce_min3A_410 : vector<1xf32> to vector<1x1xf32>
    %eq3A_412 = vector.broadcast %broadcast_in_dim3A_411 : vector<1x1xf32> to vector<16x1xf32>
    %eq3A_413 = arith.cmpf oeq, %select_n3A_408, %eq3A_412 : vector<16x1xf32>
    %jit3A_414 = arith.constant -3.000000e+38 : f32
    %broadcast_in_dim3A_415 = vector.broadcast %jit3A_414 : f32 to vector<16x1xf32>
    %select_n3A_416 = arith.select %eq3A_413, %broadcast_in_dim3A_415, %select_n3A_400 : vector<16x1xi1>, vector<16x1xf32>
    %reduce_max3A_417 = arith.constant dense<0xFF800000> : vector<1xf32>
    %reduce_max3A_418 = vector.multi_reduction <maximumf>, %select_n3A_416, %reduce_max3A_417 [0] : vector<16x1xf32> to vector<1xf32>
    %broadcast_in_dim3A_419 = vector.shape_cast %reduce_max3A_418 : vector<1xf32> to vector<1x1xf32>
    %eq3A_420 = vector.broadcast %broadcast_in_dim3A_419 : vector<1x1xf32> to vector<16x1xf32>
    %eq3A_421 = arith.cmpf oeq, %select_n3A_416, %eq3A_420 : vector<16x1xf32>
    %jit3A_422 = arith.constant 3.000000e+38 : f32
    %broadcast_in_dim3A_423 = vector.broadcast %jit3A_422 : f32 to vector<16x1xf32>
    %select_n3A_424 = arith.select %eq3A_421, %convert_element_type3A_76, %broadcast_in_dim3A_423 : vector<16x1xi1>, vector<16x1xf32>
    %reduce_min3A_425 = arith.constant dense<0x7F800000> : vector<1xf32>
    %reduce_min3A_426 = vector.multi_reduction <minimumf>, %select_n3A_424, %reduce_min3A_425 [0] : vector<16x1xf32> to vector<1xf32>
    %broadcast_in_dim3A_427 = vector.shape_cast %reduce_min3A_426 : vector<1xf32> to vector<1x1xf32>
    %eq3A_428 = vector.broadcast %broadcast_in_dim3A_427 : vector<1x1xf32> to vector<16x1xf32>
    %eq3A_429 = arith.cmpf oeq, %select_n3A_424, %eq3A_428 : vector<16x1xf32>
    %jit3A_430 = arith.constant -3.000000e+38 : f32
    %broadcast_in_dim3A_431 = vector.broadcast %jit3A_430 : f32 to vector<16x1xf32>
    %select_n3A_432 = arith.select %eq3A_429, %broadcast_in_dim3A_431, %select_n3A_416 : vector<16x1xi1>, vector<16x1xf32>
    %reduce_max3A_433 = arith.constant dense<0xFF800000> : vector<1xf32>
    %reduce_max3A_434 = vector.multi_reduction <maximumf>, %select_n3A_432, %reduce_max3A_433 [0] : vector<16x1xf32> to vector<1xf32>
    %broadcast_in_dim3A_435 = vector.shape_cast %reduce_max3A_434 : vector<1xf32> to vector<1x1xf32>
    %eq3A_436 = vector.broadcast %broadcast_in_dim3A_435 : vector<1x1xf32> to vector<16x1xf32>
    %eq3A_437 = arith.cmpf oeq, %select_n3A_432, %eq3A_436 : vector<16x1xf32>
    %jit3A_438 = arith.constant 3.000000e+38 : f32
    %broadcast_in_dim3A_439 = vector.broadcast %jit3A_438 : f32 to vector<16x1xf32>
    %select_n3A_440 = arith.select %eq3A_437, %convert_element_type3A_76, %broadcast_in_dim3A_439 : vector<16x1xi1>, vector<16x1xf32>
    %reduce_min3A_441 = arith.constant dense<0x7F800000> : vector<1xf32>
    %reduce_min3A_442 = vector.multi_reduction <minimumf>, %select_n3A_440, %reduce_min3A_441 [0] : vector<16x1xf32> to vector<1xf32>
    %broadcast_in_dim3A_443 = vector.shape_cast %reduce_min3A_442 : vector<1xf32> to vector<1x1xf32>
    %concatenate3A_444 = tpu.concatenate %broadcast_in_dim3A_331, %broadcast_in_dim3A_347, %broadcast_in_dim3A_363, %broadcast_in_dim3A_379, %broadcast_in_dim3A_395, %broadcast_in_dim3A_411, %broadcast_in_dim3A_427, %broadcast_in_dim3A_443 in 1 : vector<1x1xf32>, vector<1x1xf32>, vector<1x1xf32>, vector<1x1xf32>, vector<1x1xf32>, vector<1x1xf32>, vector<1x1xf32>, vector<1x1xf32> -> vector<1x8xf32>
    %iota3A_445 = tpu.iota {dimensions = array<i32: 0>} : vector<8x64xi32>
    %iota3A_446 = tpu.iota {dimensions = array<i32: 1>} : vector<8x64xi32>
    %jit3A_447 = arith.constant 8 : i32
    %div3A_448 = vector.broadcast %jit3A_447 : i32 to vector<8x64xi32>
    %div3A_449 = arith.divsi %iota3A_446, %div3A_448 : vector<8x64xi32>
    %sign3A = arith.constant 0 : i32
    %sign3A_450 = vector.broadcast %sign3A : i32 to vector<8x64xi32>
    %sign3A_451 = arith.cmpi sgt, %iota3A_446, %sign3A_450 : vector<8x64xi32>
    %sign3A_452 = arith.extui %sign3A_451 : vector<8x64xi1> to vector<8x64xi32>
    %sign3A_453 = arith.constant 0 : i32
    %sign3A_454 = vector.broadcast %sign3A_453 : i32 to vector<8x64xi32>
    %sign3A_455 = arith.cmpi slt, %iota3A_446, %sign3A_454 : vector<8x64xi32>
    %sign3A_456 = arith.extui %sign3A_455 : vector<8x64xi1> to vector<8x64xi32>
    %sign3A_457 = arith.subi %sign3A_452, %sign3A_456 : vector<8x64xi32>
    %sign3A_458 = arith.constant 0 : i32
    %sign3A_459 = arith.cmpi sgt, %jit3A_447, %sign3A_458 : i32
    %sign3A_460 = arith.extui %sign3A_459 : i1 to i32
    %sign3A_461 = arith.constant 0 : i32
    %sign3A_462 = arith.cmpi slt, %jit3A_447, %sign3A_461 : i32
    %sign3A_463 = arith.extui %sign3A_462 : i1 to i32
    %sign3A_464 = arith.subi %sign3A_460, %sign3A_463 : i32
    %ne3A = vector.broadcast %sign3A_464 : i32 to vector<8x64xi32>
    %ne3A_465 = arith.cmpi ne, %sign3A_457, %ne3A : vector<8x64xi32>
    %rem3A = vector.broadcast %jit3A_447 : i32 to vector<8x64xi32>
    %rem3A_466 = arith.remsi %iota3A_446, %rem3A : vector<8x64xi32>
    %ne3A_467 = arith.constant 0 : i32
    %ne3A_468 = vector.broadcast %ne3A_467 : i32 to vector<8x64xi32>
    %ne3A_469 = arith.cmpi ne, %rem3A_466, %ne3A_468 : vector<8x64xi32>
    %and3A = arith.andi %ne3A_465, %ne3A_469 : vector<8x64xi1>
    %sub3A = arith.constant 1 : i32
    %sub3A_470 = vector.broadcast %sub3A : i32 to vector<8x64xi32>
    %sub3A_471 = arith.subi %div3A_449, %sub3A_470 : vector<8x64xi32>
    %select_n3A_472 = arith.select %and3A, %sub3A_471, %div3A_449 : vector<8x64xi1>, vector<8x64xi32>
    %eq3A_473 = arith.cmpi eq, %select_n3A_472, %iota3A_445 : vector<8x64xi32>
    %convert_element_type3A_474 = arith.extui %eq3A_473 : vector<8x64xi1> to vector<8x64xi32>
    %convert_element_type3A_475 = arith.sitofp %convert_element_type3A_474 : vector<8x64xi32> to vector<8x64xf32>
    %jit3A_476 = arith.constant 8 : i32
    %eq3A_477 = arith.constant 0 : i32
    %eq3A_478 = arith.cmpi eq, %jit3A_476, %eq3A_477 : i32
    %jit3A_479 = arith.constant 1 : i32
    %select_n3A_480 = arith.select %eq3A_478, %jit3A_479, %jit3A_476 : i32
    %rem3A_481 = vector.broadcast %select_n3A_480 : i32 to vector<8x64xi32>
    %rem3A_482 = arith.remsi %iota3A_446, %rem3A_481 : vector<8x64xi32>
    %ne3A_483 = arith.constant 0 : i32
    %ne3A_484 = vector.broadcast %ne3A_483 : i32 to vector<8x64xi32>
    %ne3A_485 = arith.cmpi ne, %rem3A_482, %ne3A_484 : vector<8x64xi32>
    %lt3A = arith.constant 0 : i32
    %lt3A_486 = vector.broadcast %lt3A : i32 to vector<8x64xi32>
    %lt3A_487 = arith.cmpi slt, %rem3A_482, %lt3A_486 : vector<8x64xi32>
    %lt3A_488 = arith.constant 0 : i32
    %lt3A_489 = arith.cmpi slt, %select_n3A_480, %lt3A_488 : i32
    %ne3A_490 = vector.broadcast %lt3A_489 : i1 to vector<8x64xi1>
    %ne3A_491 = vector.broadcast %ne3A_490 : vector<8x64xi1> to vector<8x64xi1>
    %ne3A_492 = arith.xori %lt3A_487, %ne3A_491 : vector<8x64xi1>
    %and3A_493 = arith.andi %ne3A_492, %ne3A_485 : vector<8x64xi1>
    %add3A_494 = vector.broadcast %select_n3A_480 : i32 to vector<8x64xi32>
    %add3A_495 = arith.addi %rem3A_482, %add3A_494 : vector<8x64xi32>
    %select_n3A_496 = arith.select %and3A_493, %add3A_495, %rem3A_482 : vector<8x64xi1>, vector<8x64xi32>
    %eq3A_497 = arith.cmpi eq, %select_n3A_496, %iota3A_445 : vector<8x64xi32>
    %convert_element_type3A_498 = arith.extui %eq3A_497 : vector<8x64xi1> to vector<8x64xi32>
    %convert_element_type3A_499 = arith.sitofp %convert_element_type3A_498 : vector<8x64xi32> to vector<8x64xf32>
    %dot_general3A_500 = arith.constant dense<0.000000e+00> : vector<1x64xf32>
    %dot_general3A_501 = tpu.matmul %concatenate3A_320, %convert_element_type3A_475, %dot_general3A_500 {dimension_numbers = #tpu.dot_dimension_numbers<[1], [0], [0], [1], [0, 0, 1, 1], [], []>, transpose_lhs_hint = false} : vector<1x8xf32>, vector<8x64xf32>, vector<1x64xf32> -> vector<1x64xf32>
    %dot_general3A_502 = arith.constant dense<0.000000e+00> : vector<1x64xf32>
    %dot_general3A_503 = tpu.matmul %concatenate3A_444, %convert_element_type3A_499, %dot_general3A_502 {dimension_numbers = #tpu.dot_dimension_numbers<[1], [0], [0], [1], [0, 0, 1, 1], [], []>, transpose_lhs_hint = false} : vector<1x8xf32>, vector<8x64xf32>, vector<1x64xf32> -> vector<1x64xf32>
    %mul3A_504 = arith.constant 8 : i32
    %mul3A_505 = arith.muli %arg0, %mul3A_504 : i32
    %add3A_506 = arith.addi %mul3A_505, %arg1 : i32
    %mul3A_507 = arith.constant 4096 : i32
    %mul3A_508 = arith.muli %add3A_506, %mul3A_507 : i32
    %convert_element_type3A_509 = arith.sitofp %mul3A_508 : i32 to f32
    %mul3A_510 = arith.constant 2.560000e+02 : f32
    %mul3A_511 = vector.broadcast %mul3A_510 : f32 to vector<8x1xf32>
    %mul3A_512 = arith.mulf %concatenate3A_196, %mul3A_511 : vector<8x1xf32>
    %mul3A_513 = arith.constant 1.600000e+01 : f32
    %mul3A_514 = vector.broadcast %mul3A_513 : f32 to vector<1x64xf32>
    %mul3A_515 = arith.mulf %dot_general3A_501, %mul3A_514 : vector<1x64xf32>
    %add3A_516 = vector.broadcast %mul3A_512 : vector<8x1xf32> to vector<8x64xf32>
    %add3A_517 = vector.broadcast %mul3A_515 : vector<1x64xf32> to vector<8x64xf32>
    %add3A_518 = arith.addf %add3A_516, %add3A_517 : vector<8x64xf32>
    %add3A_519 = vector.broadcast %dot_general3A_503 : vector<1x64xf32> to vector<8x64xf32>
    %add3A_520 = arith.addf %add3A_518, %add3A_519 : vector<8x64xf32>
    %add3A_521 = vector.broadcast %convert_element_type3A_509 : f32 to vector<8x64xf32>
    %add3A_522 = arith.addf %add3A_520, %add3A_521 : vector<8x64xf32>
    %convert_element_type3A_523 = arith.fptosi %add3A_522 : vector<8x64xf32> to vector<8x64xi32>
    %swap3A_524 = arith.constant 0 : index
    %swap3A_525 = arith.constant 0 : index
    %swap3A_526 = arith.constant 0 : index
    %swap3A_527 = arith.constant 0 : index
    %swap3A_528 = vector.load %arg8[%swap3A_524, %swap3A_525, %swap3A_526, %swap3A_527] : memref<1x1x8x64xi32, #tpu.memory_space<vmem>>, vector<1x1x8x64xi32>
    %swap3A_529 = vector.shape_cast %swap3A_528 : vector<1x1x8x64xi32> to vector<8x64xi32>
    %swap3A_530 = vector.shape_cast %convert_element_type3A_523 : vector<8x64xi32> to vector<1x1x8x64xi32>
    tpu.vector_store %arg8[%swap3A_524, %swap3A_525, %swap3A_526, %swap3A_527], %swap3A_530 {strides = array<i32>} : memref<1x1x8x64xi32, #tpu.memory_space<vmem>>, vector<1x1x8x64xi32>,
    return
  }
  func.func @transform_0(%arg0: i32, %arg1: i32) -> (i32, i32, i32) {
    %c0_i32 = arith.constant 0 : i32
    %c0_i32_0 = arith.constant 0 : i32
    %c0_i32_1 = arith.constant 0 : i32
    return %arg0, %c0_i32, %c0_i32_0 : i32, i32, i32
  }
  func.func @transform_1(%arg0: i32, %arg1: i32) -> (i32, i32) {
    %c0_i32 = arith.constant 0 : i32
    %c0_i32_0 = arith.constant 0 : i32
    %c0_i32_1 = arith.constant 0 : i32
    return %c0_i32, %c0_i32_0 : i32, i32
  }
  func.func @transform_2(%arg0: i32, %arg1: i32) -> (i32, i32) {
    %c0_i32 = arith.constant 0 : i32
    %c0_i32_0 = arith.constant 0 : i32
    %c0_i32_1 = arith.constant 0 : i32
    return %c0_i32, %c0_i32_0 : i32, i32
  }
  func.func @transform_3(%arg0: i32, %arg1: i32) -> (i32, i32, i32) {
    %c0_i32 = arith.constant 0 : i32
    %c0_i32_0 = arith.constant 0 : i32
    %c0_i32_1 = arith.constant 0 : i32
    return %arg1, %c0_i32, %c0_i32_0 : i32, i32, i32
  }
  func.func @transform_4(%arg0: i32, %arg1: i32) -> (i32, i32, i32, i32) {
    %c0_i32 = arith.constant 0 : i32
    %c0_i32_0 = arith.constant 0 : i32
    %c0_i32_1 = arith.constant 0 : i32
    return %arg0, %arg1, %c0_i32, %c0_i32_0 : i32, i32, i32, i32
  }
  func.func @transform_5(%arg0: i32, %arg1: i32) -> (i32, i32, i32, i32) {
    %c0_i32 = arith.constant 0 : i32
    %c0_i32_0 = arith.constant 0 : i32
    %c0_i32_1 = arith.constant 0 : i32
    return %arg0, %arg1, %c0_i32, %c0_i32_0 : i32, i32, i32, i32
  }
  func.func @transform_6(%arg0: i32, %arg1: i32) -> (i32, i32, i32, i32) {
    %c0_i32 = arith.constant 0 : i32
    %c0_i32_0 = arith.constant 0 : i32
    %c0_i32_1 = arith.constant 0 : i32
    return %arg0, %arg1, %c0_i32, %c0_i32_0 : i32, i32, i32, i32
  }
}

module attributes {stable_mosaic.version = 14 : i64} {
  func.func @_attn_kernel(%arg0: i32, %arg1: i32, %arg2: memref<1x1x4096x64xf32, #tpu.memory_space<vmem>>, %arg3: memref<1x512x128xf32, #tpu.memory_space<vmem>>, %arg4: memref<1x64x64xf32, #tpu.memory_space<vmem>>, %arg5: memref<64x1xf32, #tpu.memory_space<vmem>>, %arg6: memref<1x64x4096xf32, #tpu.memory_space<vmem>>) attributes {dimension_semantics = [#tpu.dimension_semantics<arbitrary>, #tpu.dimension_semantics<arbitrary>], iteration_bounds = array<i64: 2, 8>, scalar_prefetch = 0 : i64, scratch_operands = 0 : i64, tpu.core_type = #tpu.core_type<tc>, window_params = [{transform_indices = @transform_0, window_bounds = array<i64: 1, 1, 4096, 64>}, {transform_indices = @transform_1, window_bounds = array<i64: 1, 512, 128>}, {transform_indices = @transform_2, window_bounds = array<i64: 1, 64, 64>}, {pipeline_mode = #tpu.pipeline_mode<synchronous>, transform_indices = @transform_3, window_bounds = array<i64: 64, 1>}, {transform_indices = @transform_4, window_bounds = array<i64: 1, 64, 4096>}]} {
    %get3A = arith.constant 0 : index
    %get3A_0 = arith.constant 0 : index
    %get3A_1 = arith.constant 0 : index
    %get3A_2 = arith.constant 0 : index
    %get3A_3 = vector.load %arg2[%get3A, %get3A_0, %get3A_1, %get3A_2] : memref<1x1x4096x64xf32, #tpu.memory_space<vmem>>, vector<1x1x4096x64xf32>
    %get3A_4 = vector.shape_cast %get3A_3 : vector<1x1x4096x64xf32> to vector<4096x64xf32>
    %get3A_5 = arith.constant 0 : index
    %get3A_6 = arith.constant 0 : index
    %get3A_7 = arith.constant 0 : index
    %get3A_8 = vector.load %arg3[%get3A_5, %get3A_6, %get3A_7] : memref<1x512x128xf32, #tpu.memory_space<vmem>>, vector<1x512x64xf32>
    %get3A_9 = vector.shape_cast %get3A_8 : vector<1x512x64xf32> to vector<512x64xf32>
    %get3A_10 = arith.constant 0 : index
    %get3A_11 = arith.constant 0 : index
    %get3A_12 = arith.constant 64 : index
    %get3A_13 = vector.load %arg3[%get3A_10, %get3A_11, %get3A_12] : memref<1x512x128xf32, #tpu.memory_space<vmem>>, vector<1x512x64xf32>
    %get3A_14 = vector.shape_cast %get3A_13 : vector<1x512x64xf32> to vector<512x64xf32>
    %dot_general3A = arith.constant dense<0.000000e+00> : vector<4096x512xf32>
    %dot_general3A_15 = tpu.matmul %get3A_4, %get3A_9, %dot_general3A {dimension_numbers = #tpu.dot_dimension_numbers<[1], [1], [0], [0], [0, 0, 1, 0], [], []>, transpose_lhs_hint = false} : vector<4096x64xf32>, vector<512x64xf32>, vector<4096x512xf32> -> vector<4096x512xf32>
    %exp3A = math.exp %dot_general3A_15 : vector<4096x512xf32>
    %reduce_sum3A = arith.constant dense<0.000000e+00> : vector<4096xf32>
    %reduce_sum3A_16 = vector.multi_reduction <add>, %exp3A, %reduce_sum3A [1] : vector<4096x512xf32> to vector<4096xf32>
    %broadcast_in_dim3A = vector.shape_cast %reduce_sum3A_16 : vector<4096xf32> to vector<4096x1xf32>
    %dot_general3A_17 = arith.constant dense<0.000000e+00> : vector<4096x64xf32>
    %dot_general3A_18 = tpu.matmul %exp3A, %get3A_14, %dot_general3A_17 {dimension_numbers = #tpu.dot_dimension_numbers<[1], [0], [0], [1], [0, 0, 1, 1], [], []>, transpose_lhs_hint = false} : vector<4096x512xf32>, vector<512x64xf32>, vector<4096x64xf32> -> vector<4096x64xf32>
    %div3A = vector.broadcast %broadcast_in_dim3A : vector<4096x1xf32> to vector<4096x64xf32>
    %div3A_19 = arith.divf %dot_general3A_18, %div3A : vector<4096x64xf32>
    %get3A_20 = arith.constant 0 : index
    %get3A_21 = arith.constant 0 : index
    %get3A_22 = arith.constant 0 : index
    %get3A_23 = vector.load %arg4[%get3A_20, %get3A_21, %get3A_22] : memref<1x64x64xf32, #tpu.memory_space<vmem>>, vector<1x64x64xf32>
    %get3A_24 = vector.shape_cast %get3A_23 : vector<1x64x64xf32> to vector<64x64xf32>
    %dot_general3A_25 = arith.constant dense<0.000000e+00> : vector<64x4096xf32>
    %dot_general3A_26 = tpu.matmul %get3A_24, %div3A_19, %dot_general3A_25 {dimension_numbers = #tpu.dot_dimension_numbers<[1], [1], [0], [0], [0, 0, 1, 0], [], []>, transpose_lhs_hint = false} : vector<64x64xf32>, vector<4096x64xf32>, vector<64x4096xf32> -> vector<64x4096xf32>
    %eq3A = arith.constant 0 : i32
    %eq3A_27 = arith.cmpi eq, %arg1, %eq3A : i32
    %convert_element_type3A = arith.extui %eq3A_27 : i1 to i32
    %cond3A = arith.constant 0 : i32
    %cond3A_28 = arith.cmpi ne, %convert_element_type3A, %cond3A : i32
    scf.if %cond3A_28 {
      %get3A_33 = arith.constant 0 : index
      %get3A_34 = arith.constant 0 : index
      %get3A_35 = vector.load %arg5[%get3A_33, %get3A_34] : memref<64x1xf32, #tpu.memory_space<vmem>>, vector<64x1xf32>
      %add3A = vector.broadcast %get3A_35 : vector<64x1xf32> to vector<64x4096xf32>
      %add3A_36 = arith.addf %dot_general3A_26, %add3A : vector<64x4096xf32>
      %swap3A = arith.constant 0 : index
      %swap3A_37 = arith.constant 0 : index
      %swap3A_38 = arith.constant 0 : index
      %swap3A_39 = vector.load %arg6[%swap3A, %swap3A_37, %swap3A_38] : memref<1x64x4096xf32, #tpu.memory_space<vmem>>, vector<1x64x4096xf32>
      %swap3A_40 = vector.shape_cast %swap3A_39 : vector<1x64x4096xf32> to vector<64x4096xf32>
      %swap3A_41 = vector.shape_cast %add3A_36 : vector<64x4096xf32> to vector<1x64x4096xf32>
      tpu.vector_store %arg6[%swap3A, %swap3A_37, %swap3A_38], %swap3A_41 {strides = array<i32>} : memref<1x64x4096xf32, #tpu.memory_space<vmem>>, vector<1x64x4096xf32>,
    } else {
    }
    %ne3A = arith.constant 0 : i32
    %ne3A_29 = arith.cmpi ne, %arg1, %ne3A : i32
    %convert_element_type3A_30 = arith.extui %ne3A_29 : i1 to i32
    %cond3A_31 = arith.constant 0 : i32
    %cond3A_32 = arith.cmpi ne, %convert_element_type3A_30, %cond3A_31 : i32
    scf.if %cond3A_32 {
      %get3A_33 = arith.constant 0 : index
      %get3A_34 = arith.constant 0 : index
      %get3A_35 = arith.constant 0 : index
      %get3A_36 = vector.load %arg6[%get3A_33, %get3A_34, %get3A_35] : memref<1x64x4096xf32, #tpu.memory_space<vmem>>, vector<1x64x4096xf32>
      %get3A_37 = vector.shape_cast %get3A_36 : vector<1x64x4096xf32> to vector<64x4096xf32>
      %add3A = arith.addf %get3A_37, %dot_general3A_26 : vector<64x4096xf32>
      %swap3A = arith.constant 0 : index
      %swap3A_38 = arith.constant 0 : index
      %swap3A_39 = arith.constant 0 : index
      %swap3A_40 = vector.load %arg6[%swap3A, %swap3A_38, %swap3A_39] : memref<1x64x4096xf32, #tpu.memory_space<vmem>>, vector<1x64x4096xf32>
      %swap3A_41 = vector.shape_cast %swap3A_40 : vector<1x64x4096xf32> to vector<64x4096xf32>
      %swap3A_42 = vector.shape_cast %add3A : vector<64x4096xf32> to vector<1x64x4096xf32>
      tpu.vector_store %arg6[%swap3A, %swap3A_38, %swap3A_39], %swap3A_42 {strides = array<i32>} : memref<1x64x4096xf32, #tpu.memory_space<vmem>>, vector<1x64x4096xf32>,
    } else {
    }
    return
  }
  func.func @transform_0(%arg0: i32, %arg1: i32) -> (i32, i32, i32, i32) {
    %c0_i32 = arith.constant 0 : i32
    %c0_i32_0 = arith.constant 0 : i32
    %c0_i32_1 = arith.constant 0 : i32
    return %arg0, %arg1, %c0_i32, %c0_i32_0 : i32, i32, i32, i32
  }
  func.func @transform_1(%arg0: i32, %arg1: i32) -> (i32, i32, i32) {
    %mul3A = arith.constant 8 : i32
    %mul3A_0 = arith.muli %arg0, %mul3A : i32
    %add3A = arith.addi %mul3A_0, %arg1 : i32
    %c0_i32 = arith.constant 0 : i32
    %c0_i32_1 = arith.constant 0 : i32
    %c0_i32_2 = arith.constant 0 : i32
    return %add3A, %c0_i32, %c0_i32_1 : i32, i32, i32
  }
  func.func @transform_2(%arg0: i32, %arg1: i32) -> (i32, i32, i32) {
    %c0_i32 = arith.constant 0 : i32
    %c0_i32_0 = arith.constant 0 : i32
    %c0_i32_1 = arith.constant 0 : i32
    return %arg1, %c0_i32, %c0_i32_0 : i32, i32, i32
  }
  func.func @transform_3(%arg0: i32, %arg1: i32) -> (i32, i32) {
    %c0_i32 = arith.constant 0 : i32
    %c0_i32_0 = arith.constant 0 : i32
    %c0_i32_1 = arith.constant 0 : i32
    return %c0_i32, %c0_i32_0 : i32, i32
  }
  func.func @transform_4(%arg0: i32, %arg1: i32) -> (i32, i32, i32) {
    %c0_i32 = arith.constant 0 : i32
    %c0_i32_0 = arith.constant 0 : i32
    %c0_i32_1 = arith.constant 0 : i32
    return %arg0, %c0_i32, %c0_i32_0 : i32, i32, i32
  }
}

</mosaic_0001>

<sc_bundles>
// kernel: kernel.5.cloned.1.call-start
scs
__scs_entry_jumppad:
0x0: {  	(pc) =	sbr.rel $0x88, $3  }
0x1: {  	(tag) =	ssettag $0x0;
	lr =	simm.s32 $0x1  }
0x2: {  	[smem:$0x3F9B] =	sst lr;
	_ =	strace $0xD0000000  }
0x3: {  	_ = 	snop  }
0x4: {  	_ = 	snop  }
0x5: {  	_ = 	snop  }
0x6: {  	_ = 	snop  }
0x7: {  	_ = 	snop  }
__scs_overlays_trampoline_lowered:
0x8: {  	[smem:$0x3FAA] =	sst s0  }
0x9: {  	[smem:$0x3FAB] =	sst s1  }
0xa: {  	[smem:$0x3FAC] =	sst s2  }
0xb: {  	[smem:$0x3FAD] =	sst s3  }
0xc: {  	[smem:$0x3FAE] =	sst s4  }
0xd: {  	[smem:$0x3FAF] =	sst s5  }
0xe: {  	[smem:$0x3FB0] =	sst s6  }
0xf: {  	[smem:$0x3FB1] =	sst s7  }
0x10: {  	[smem:$0x3FB2] =	sst s8  }
0x11: {  	[smem:$0x3FB3] =	sst s9;
	s0 =	simm.s32 @!p0 $0x0  }
0x12: {  	s1 =	sld [smem:$0x3F99];
	s0 =	simm.s32 @p0 $0x1  }
0x13: {  	[smem:$0x3FB4] =	sst s0;
	s0 =	simm.s32 @!p1 $0x0  }
0x14: {  	s2 =	sld [smem:$0x3F98];
	s0 =	simm.s32 @p1 $0x1  }
0x15: {  	[smem:$0x3FB5] =	sst s0;
	s0 =	simm.s32 @!p2 $0x0  }
0x16: {  	s3 =	sld [smem:$0x3FDB];
	s0 =	simm.s32 @p2 $0x1  }
0x17: {  	s4 =	simm.s32 $0x1BF5;
	[smem:$0x3FB7] =	sst s0  }
0x18: {  	s0 =	sld [smem:$0x3F9A];
	_ =	swait.ge [sflag:s4], $0x0  }
0x19: {  	s7 =	sld [smem:$0x3F9B]  }
0x1a: {  	s8 =	sadd.s32 $0xFFFFE003, lr  }
0x1b: {  	s9 =	sadd.s32 $0xFFFFFEF7, lr;
	s5 =	simm.s32 $0xFFFFFFFF;
	p2 =	slt.u32 s8, $0xFFFFF086  }
0x1c: {  	p1 =	slt.u32 s9, $0xF7A;
	s5 =	simm.s32 @!p2 $0x0  }
0x1d: {  	s5 =	simm.s32 @p1 $0x1;
	p0 =	seq.s32 s7, s2  }
0x1e: {  	s7 =	smul.u32 @!p0 $0xF7A, s2;
	p2 =	seq.s32 @!p0 s5, $0x0  }
0x1f: {  	s9 =	smul.u32 $0xF7A, s1;
	s8 =	simm.s32 @!p0 $0x1BF5;
	p2 =	por !p2, p0  }
0x20: {  	[sflag:s8] =	ssyncset.s32 @!p0 $0xFFFFF086;
	s6 =	sadd.s32 @!p0 s3, s7;
	s7 =	simm.s32 @!p0 $0x108  }
0x21: {  	s3 =	sadd.s32 s3, s9;
	s6 =	sadd.s32 @!p0 $0x88, s6;
	s7 =	simm.s32 @p2 $0x1082  }
0x22: {  	[simem:s7], [sflag:s8] =	dma.local @!p0 [hbm:s6], $0xF7A  }
0x23: {  	s9 =	sor.u32 $0xD0000000, s2;
	s6 =	simm.s32 $0x108;
	_ =	swait.ge @!p0 [sflag:s8], $0x0  }
0x24: {  	s3 =	sadd.s32 $0x88, s3;
	s6 =	simm.s32 @!p1 $0x1082;
	[sflag:s4] =	ssyncset.s32 $0xFFFFF086  }
0x25: {  	[simem:s6], [sflag:s4] =	dma.local [hbm:s3], $0xF7A  }
0x26: {  	[smem:$0x3F9B] =	sst s1;
	(tag) =	ssettag s2;
	_ =	strace s9  }
0x27: {  	s1 =	sld [smem:$0x3FAB]  }
0x28: {  	s2 =	sld [smem:$0x3FAC]  }
0x29: {  	s4 =	sld [smem:$0x3FAE]  }
0x2a: {  	p0 =	seq.s32 s5, $0x0;
	s5 =	sld [smem:$0x3FAF]  }
0x2b: {  	s6 =	sld [smem:$0x3FB0]  }
0x2c: {  	s7 =	sld [smem:$0x3FB1]  }
0x2d: {  	s3 =	simm.s32 $0x108;
	s8 =	sld [smem:$0x3FB2]  }
0x2e: {  	s3 =	simm.s32 @!p0 $0x1082;
	s9 =	sld [smem:$0x3FB3]  }
0x2f: {  	lr =	sadd.s32 s0, s3;
	s0 =	sld [smem:$0x3FAA]  }
0x30: {  	s3 =	sld [smem:$0x3FAD]  }
0x31: {  	[smem:$0x3FB6] =	sst s10  }
0x32: {  	s10 =	sld [smem:$0x3FB4];
	_ =	sdelay $0x3  }
0x33: {  	p0 =	seq.s32 s10, $0x1;
	s10 =	sld [smem:$0x3FB6];
	_ =	sdelay $0x3  }
0x34: {  	[smem:$0x3FB6] =	sst s10  }
0x35: {  	s10 =	sld [smem:$0x3FB5];
	_ =	sdelay $0x3  }
0x36: {  	p1 =	seq.s32 s10, $0x1;
	s10 =	sld [smem:$0x3FB6];
	_ =	sdelay $0x3  }
0x37: {  	[smem:$0x3FB6] =	sst s10  }
0x38: {  	s10 =	sld [smem:$0x3FB7]  }
0x39: {  	_ = 	snop;
	(pc) =	sbr.ind lr, $3  }
0x3a: {  	_ = 	snop  }
0x3b: {  	_ = 	snop  }
0x3c: {  	p2 =	seq.s32 s10, $0x1;
	s10 =	sld [smem:$0x3FB6]  }
0x3d: {  	_ =	shalt  }
0x3e: {  	_ =	shalt  }
0x3f: {  	_ =	shalt  }
0x40: {  	_ =	shalt  }
0x41: {  	_ =	shalt  }
0x42: {  	_ =	shalt  }
0x43: {  	_ =	shalt  }
0x44: {  	_ =	shalt  }
0x45: {  	_ =	shalt  }
0x46: {  	_ =	shalt  }
0x47: {  	_ =	shalt  }
0x48: {  	_ =	shalt  }
0x49: {  	_ =	shalt  }
0x4a: {  	_ =	shalt  }
0x4b: {  	_ =	shalt  }
0x4c: {  	_ =	shalt  }
0x4d: {  	_ =	shalt  }
0x4e: {  	_ =	shalt  }
0x4f: {  	_ =	shalt  }
0x50: {  	_ =	shalt  }
0x51: {  	_ =	shalt  }
0x52: {  	_ =	shalt  }
0x53: {  	_ =	shalt  }
0x54: {  	_ =	shalt  }
0x55: {  	_ =	shalt  }
0x56: {  	_ =	shalt  }
0x57: {  	_ =	shalt  }
0x58: {  	_ =	shalt  }
0x59: {  	_ =	shalt  }
0x5a: {  	_ =	shalt  }
0x5b: {  	_ =	shalt  }
0x5c: {  	_ =	shalt  }
0x5d: {  	_ =	shalt  }
0x5e: {  	_ =	shalt  }
0x5f: {  	_ =	shalt  }
0x60: {  	_ =	shalt  }
0x61: {  	_ =	shalt  }
0x62: {  	_ =	shalt  }
0x63: {  	_ =	shalt  }
0x64: {  	_ =	shalt  }
0x65: {  	_ =	shalt  }
0x66: {  	_ =	shalt  }
0x67: {  	_ =	shalt  }
0x68: {  	_ =	shalt  }
0x69: {  	_ =	shalt  }
0x6a: {  	_ =	shalt  }
0x6b: {  	_ =	shalt  }
0x6c: {  	_ =	shalt  }
0x6d: {  	_ =	shalt  }
0x6e: {  	_ =	shalt  }
0x6f: {  	_ =	shalt  }
0x70: {  	_ =	shalt  }
0x71: {  	_ =	shalt  }
0x72: {  	_ =	shalt  }
0x73: {  	_ =	shalt  }
0x74: {  	_ =	shalt  }
0x75: {  	_ =	shalt  }
0x76: {  	_ =	shalt  }
0x77: {  	_ =	shalt  }
0x78: {  	_ =	shalt  }
0x79: {  	_ =	shalt  }
0x7a: {  	_ =	shalt  }
0x7b: {  	_ =	shalt  }
0x7c: {  	_ =	shalt  }
0x7d: {  	_ =	shalt  }
0x7e: {  	_ =	shalt  }
0x7f: {  	_ =	shalt  }
0x80: {  	_ =	shalt  }
0x81: {  	_ =	shalt  }
0x82: {  	_ =	shalt  }
0x83: {  	_ =	shalt  }
0x84: {  	_ =	shalt  }
0x85: {  	_ =	shalt  }
0x86: {  	_ =	shalt  }
0x87: {  	_ =	shalt  }
.Lfunc_end0:
.L_simem_size_0:
called_computation_lowered:
.L_overlay_start_0:
0x88: {  	s2 =	sld [smem:$0x3FD9]  }
0x89: {  	s3 =	sld [smem:$0x3FFE];
	_ =	sdelay $0x1  }
0x8a: {  	s1 =	srdreg.scid  }
0x8b: {  	s0 =	sand.u32 $0x1, s1  }
0x8c: {  	s17 =	sshll.u32 s0, $0xA;
	s2 =	sadd.s32 s3, s2  }
0x8d: {  	s2 =	sadd.s32 s2, s17  }
0x8e: {  	[smem:$0x3FC2] =	sst s2  }
0x8f: {  	_ = 	snop  }
0x90: {  	s2 =	sld [smem:$0x3FD0];
	(tm) =	ssettm $0x1  }
0x91: {  	s18 =	sld [smem:$0x3FFB];
	_ =	sdelay $0x3  }
0x92: {  	_ =	strace s18  }
0x93: {  	s3 =	sld [smem:$0x3FFC];
	_ =	sdelay $0x3  }
0x94: {  	_ =	strace s3  }
0x95: {  	s3 =	sld [smem:$0x3FFD];
	_ =	sdelay $0x3  }
0x96: {  	_ =	strace s3  }
0x97: {  	_ =	strace $0x8FFFFFFF  }
0x98: {  	s19 =	sld [smem:$0x3FDB];
	_ =	sdelay $0x1  }
0x99: {  	s4 =	simm.s32 $_scs_section_size  }
0x9a: {  	s5 =	simm.s32 $_size__tile_overlayer_lowered;
	s6 =	simm.s32 $_tile_overlayer_lowered  }
0x9b: {  	s22 =	simm.s32 $0x1BFF;
	s21 =	sshll.u32 s6, $0x1;
	s3 =	sadd.s32 s4, s19  }
0x9c: {  	s7 =	simm.s32 $0x0;
	s20 =	sshll.u32 s5, $0x1;
	s5 =	sadd.s32 s21, s3  }
0x9d: {  	[timem:s7], [sflag:s22] =	dma.local [hbm:s5], s20  }
0x9e: {  	_ =	swait.ge [sflag:s22], s20  }
0x9f: {  	s4 =	ssub.s32 $0x0, s20;
	[sflag:s22] =	ssyncset.done $0x0  }
0xa0: {  	[sflag:s22] =	ssyncadd.s32 s4;
	_ =	sdelay $0x1  }
0xa1: {  	s23 =	simm.s32 $0x1B8B  }
0xa2: {  	_ =	swait.ge [sflag:s23], $0x1  }
0xa3: {  	[sflag:s23] =	ssyncset.done $0x0  }
0xa4: {  	s25 =	simm.s32 $0x1B8E;
	s24 =	sld [smem:$0x3FFE];
	[sflag:s23] =	ssyncadd.s32 $0xFFFFFFFF  }
0xa5: {  	s26 =	simm.s32 $execute0_lowered;
	[smem:$0x3FD2] =	sst s25  }
0xa6: {  	s5 =	sshll.u32 s26, $0x1;
	_ =	strace $0x80000046;
	[dreg:$0x1] =	wrdreg $0xFFFFFFFF  }
0xa7: {  	s28 =	simm.s32 $_size_execute0_lowered;
	s3 =	sadd.s32 s3, s5;
	[dreg:$0x0] =	wrdreg $0x0  }
0xa8: {  	s5 =	sshll.u32 s28, $0x1;
	[dreg:$0x2] =	wrdreg s3  }
0xa9: {  	[dreg:$0x3] =	wrdreg s5  }
0xaa: {  	[dreg:$0x4] =	wrdreg $0xC0  }
0xab: {  	_ =	task [dreg:s7], $0x5FFFF  }
0xac: {  	[dreg:$0x1] =	wrdreg $0xFFFFFFFF  }
0xad: {  	[dreg:$0x0] =	wrdreg $0x60  }
0xae: {  	[dreg:$0x2] =	wrdreg s24  }
0xaf: {  	[dreg:$0x3] =	wrdreg s2  }
0xb0: {  	[dreg:$0x4] =	wrdreg $0x9  }
0xb1: {  	_ =	task.clear_ibuf [dreg:s7], $0x5FFFF;
	_ =	strace $0x90000046  }
0xb2: {  	s29 =	simm.s32 $0x9;
	_ =	strace $0x80000048  }
0xb3: {  	_ =	swait.ge [sflag:s29], $0x1  }
0xb4: {  	[sflag:s29] =	ssyncadd.s32 $0xFFFFFFFF  }
0xb5: {  	_ =	strace $0x90000048  }
0xb6: {  	_ =	sfence  }
0xb7: {  	s30 =	sld [smem:$0x0];
	_ =	sdelay $0x2  }
0xb8: {  	s31 =	sshll.u32 s1, $0xD;
	s1 =	sshrl.u32 s1, $0x2  }
0xb9: {  	s3 =	sand.u32 $0x4000, s31;
	s1 =	sadd.s32 s1, s30  }
0xba: {  	s0 =	sor.u32 s3, s0;
	s1 =	sshll.u32 s1, $0x11  }
0xbb: {  	s0 =	sor.u32 s1, s0  }
0xbc: {  	s0 =	sadd.s32 $0x8F2B, s0  }
0xbd: {  	[sflag:s0] =	ssyncadd.remote.s32 $0x1  }
0xbe: {  	_ =	sfence.sel $0xFFFF  }
0xbf: {  	[dreg:$0x0] =	wrdreg $0xFFFFFFFF;
	(pc) =	sbr.abs _section_cstart, $3  }
0xc0: {  	[dreg:$0x1] =	wrdreg $0xFFFFFFFF  }
0xc1: {  	_ =	task.clear_ibuf [dreg:s7], $0x2FFFF;
	_ =	strace $0x9FFFFFFF  }
0xc2: {  	(tm) =	ssettm $0x7FFFFFFF  }
0xc3: {  	_ =	shalt  }
tec
execute0_lowered:
.L_overlay_start_1:
0x0: {  	(tag) =	ssettag $0x1  }
0x1: {  	s1 =	srdreg.scid  }
0x2: {  	s0 =	stileid.u32;
	s11 =	sand.u32 $0x1, s1  }
0x3: {  	s1 =	sor.u32 s11, s0  }
0x4: {  	p1 =	seq.s32 s11, $0x1;
	p0 =	seq.s32 s1, $0x0  }
0x5: {  	p0 =	por !p0, !p1  }
0x6: {  	s1 =	simm.s32 $0x1;
	p0 =	por !p0, !p0  }
0x7: {  	s1 =	simm.s32 @!p0 $0x0  }
0x8: {  	s1 =	ssub.s32 s0, s1  }
0x9: {  	s7 =	rddreg [dreg:$0x0];
	s2 =	sshll.u32 s11, $0x8;
	s1 =	sshll.u32 s1, $0x9  }
0xa: {  	s12 =	rddreg [dreg:$0x1];
	s13 =	sor.u32 s2, s1  }
0xb: {  	s1 =	rddreg [dreg:$0x2];
	s2 =	simm.s32 $0x0;
	s3 =	sshrl.u32 s13, $0x3  }
0xc: {  	[smem:$0x7FF] =	sst s2;
	s5 =	sadd.s32 s3, s7  }
0xd: {  	_ =	strace $0x80000047;
	s3 =	simm.s32 $0x2;
	s4 =	sadd.s32 $0x201200, s5  }
0xe: {  	[tilespmem:s2], [sflag:$0x2] =	stream.linear.gather [hbm4b:s4+s2], $0x80, $0x38;
	[tilespmem:$0x8100] =	vst v63  }
0xf: {  	_ =	swait.ge [sflag:s3], $0x80  }
0x10: {  	[sflag:s3] =	ssyncset.done $0x0  }
0x11: {  	s6 =	simm.s32 $0x80;
	s5 =	sadd.s32 $0x201210, s5;
	[sflag:s3] =	ssyncadd.s32 $0xFFFFFF80  }
0x12: {  	[tilespmem:s6], [sflag:$0x2] =	stream.linear.gather [hbm4b:s5+s2], $0x80, $0x38;
	[tilespmem:$0x8100] =	vst v63  }
0x13: {  	_ =	swait.ge [sflag:s3], $0x80  }
0x14: {  	[sflag:s3] =	ssyncset.done $0x0  }
0x15: {  	s8 =	simm.s32 $0x100;
	s7 =	sadd.s32 $0x1200, s7;
	[sflag:s3] =	ssyncadd.s32 $0xFFFFFF80  }
0x16: {  	[tilespmem:s8], [sflag:$0x1] =	stream.indirect.gather [hbm4b:s7+s6], $0x80, s2, s6, $0xb8;
	[tilespmem:$0x8100] =	vst v63  }
0x17: {  	s9 =	simm.s32 $0x1;
	s10 =	simm.s32 $0x4100;
	s11 =	ssub.s32 $0x2, s11  }
0x18: {  	[tilespmem:s10], [sflag:$0x1] =	stream.indirect.gather [hbm4b:s7+s6], $0x80, s6, s6, $0xb8;
	[tilespmem:$0x8100] =	vst v63  }
0x19: {  	s14 =	sshrl.u32 s11, $0x1;
	_ =	swait.ge [sflag:s9], $0x4000  }
0x1a: {  	s14 =	ssub.s32 s11, s14;
	[sflag:s9] =	ssyncset.done $0x0  }
0x1b: {  	s31 =	smax.u32 s14, $0x1;
	[sflag:s9] =	ssyncadd.s32 $0xFFFFC000  }
0x1c: {  	p0 =	sne.s32 s31, $0x1;
	_ =	swait.ge [sflag:s9], $0x4000  }
.Ltmp0:
0x1d: {  	s30 =	sshll.u32 s13, $0x4;
	[sflag:s9] =	ssyncset.done $0x0;
	(pc) =	sbr.rel @!p0 .LBB2_2-.Ltmp0, $4  }
0x1e: {  	s11 =	sadd.s32 s12, s30;
	[sflag:s9] =	ssyncadd.s32 $0xFFFFC000  }
0x1f: {  	[hbm4b:s11+s2] =	stream.linear.scatter [tilespmem:s8], [sflag:$0x2], $0x8000, $0x38;
	[tilespmem:$0x8100] =	vst v63  }
0x20: {  	_ =	swait.ge [sflag:s3], $0x8000  }
0x21: {  	s12 =	sadd.s32 $0xFFFFFFFF, s31;
	[sflag:s3] =	ssyncset.done $0x0  }
.LBB2_1:
0x22: {  	p0 =	sne.s32 s12, $0x1;
	s12 =	sadd.s32 $0xFFFFFFFF, s12;
	[sflag:s3] =	ssyncadd.s32 $0xFFFF8000  }
0x23: {  	[tilespmem:s2], [sflag:$0x2] =	stream.linear.gather [hbm4b:s4+s2], $0x80, $0x38;
	[tilespmem:$0x8100] =	vst v63  }
0x24: {  	_ =	swait.ge [sflag:s3], $0x80  }
0x25: {  	[sflag:s3] =	ssyncset.done $0x0  }
0x26: {  	[sflag:s3] =	ssyncadd.s32 $0xFFFFFF80  }
0x27: {  	[tilespmem:s6], [sflag:$0x2] =	stream.linear.gather [hbm4b:s5+s2], $0x80, $0x38;
	[tilespmem:$0x8100] =	vst v63  }
0x28: {  	_ =	swait.ge [sflag:s3], $0x80  }
0x29: {  	[sflag:s3] =	ssyncset.done $0x0  }
0x2a: {  	[sflag:s3] =	ssyncadd.s32 $0xFFFFFF80  }
0x2b: {  	[tilespmem:s8], [sflag:$0x1] =	stream.indirect.gather [hbm4b:s7+s6], $0x80, s2, s6, $0xb8;
	[tilespmem:$0x8100] =	vst v63  }
0x2c: {  	_ = 	snop  }
0x2d: {  	[tilespmem:s10], [sflag:$0x1] =	stream.indirect.gather [hbm4b:s7+s6], $0x80, s6, s6, $0xb8;
	[tilespmem:$0x8100] =	vst v63  }
0x2e: {  	_ =	swait.ge [sflag:s9], $0x4000  }
0x2f: {  	[sflag:s9] =	ssyncset.done $0x0  }
0x30: {  	[sflag:s9] =	ssyncadd.s32 $0xFFFFC000  }
0x31: {  	_ =	swait.ge [sflag:s9], $0x4000  }
.Ltmp1:
0x32: {  	[sflag:s9] =	ssyncset.done $0x0;
	(pc) =	sbr.rel @p0 .LBB2_1-.Ltmp1, $4  }
0x33: {  	[sflag:s9] =	ssyncadd.s32 $0xFFFFC000  }
0x34: {  	[hbm4b:s11+s2] =	stream.linear.scatter [tilespmem:s8], [sflag:$0x2], $0x8000, $0x38;
	[tilespmem:$0x8100] =	vst v63  }
0x35: {  	_ =	swait.ge [sflag:s3], $0x8000  }
0x36: {  	[sflag:s3] =	ssyncset.done $0x0  }
.LBB2_2:
0x37: {  	[sflag:s3] =	ssyncadd.s32 $0xFFFF8000  }
0x38: {  	_ =	sfence.sel $0x180000  }
0x39: {  	[bflag:$0x0] =	sbarrier.arrive $0xFFFF  }
0x3a: {  	p0 =	sne.s32 s0, $0x0;
	_ =	strace $0x90000047  }
0x3b: {  	s0 =	sadd.s32 @!p0 $0x100000, s1;
	[bflag:$0x2] =	sbarrier.arrive $0xFFFF  }
0x3c: {  	[sflag:s0] =	ssyncadd.tile.s32 @!p0 $0x1;
	_ =	shalt  }
.Lfunc_end2:
_tile_overlayer_lowered:
.L_overlay_start_2:
0x3d: {  	(tag) =	ssettag $0x2  }
0x3e: {  	s0 =	rddreg [dreg:$0x0];
	s2 =	stileid.u32  }
0x3f: {  	s1 =	rddreg [dreg:$0x1];
	p0 =	sne.s32 s2, $0x0  }
0x40: {  	s3 =	rddreg [dreg:$0x2];
	[bflag:$0x3] =	sbarrier.arrive $0xFFFF;
	s2 =	simm.s32 @!p0 $0x1C02  }
0x41: {  	[timem:s3], [sflag:s2] =	dma.local @!p0 [hbm:s0], s1  }
0x42: {  	s0 =	simm.s32 @!p0 $0x2  }
0x43: {  	_ =	swait.ge @!p0 [sflag:s0], s1  }
0x44: {  	s1 =	ssub.s32 @!p0 $0x0, s1;
	[sflag:s0] =	ssyncset.done @!p0 $0x0  }
0x45: {  	[sflag:s0] =	ssyncadd.s32 @!p0 s1  }
0x46: {  	[bflag:$0x3] =	sbarrier.arrive $0xFFFF  }
0x47: {  	_ =	shalt  }

</sc_bundles>
